<compile_context>
chip_gen: v7x
topology: tpu7x:2x2x1
jax: 0.10.2.dev20260603
libtpu: 0.0.44.dev20260713+nightly
codegen_flags: <defaults>
</compile_context>

<pallas_src>
import dataclasses
import math

import jax
import jax.numpy as jnp
from jax import lax
from jax.experimental import pallas as pl
from jax.experimental.pallas import tpu as pltpu
from jax.experimental.pallas import tpu_sc as plsc

_SCALE_CLAMP = math.log(1000.0 / 16.0)
_CTR_CLAMP = 32.0
_CONF = 0.05
_NMS_T = 0.6
_NCLS = 20
_KEEP = 100
_N = 20000
_T = 16
_CHUNK = 1280
_S = 80
_CP = _S * 16
_LAST = _N - (_T - 1) * _CHUNK
_NF = 16
_L = 16
_BIG = 3.0e38



def _sigmoid(x):
    return 1.0 / (1.0 + jnp.exp(-x))


def _body(feat, out, in_v, fld, rec_v, all_v, out_v, shared):
    cid = lax.axis_index("c")

    @pl.when(cid == 0)
    def _core0():
        _core_body(feat, out, in_v, fld, rec_v, all_v, out_v, shared)


def _core_body(feat, out, in_v, fld, rec_v, all_v, out_v, shared):
    tid = lax.axis_index("s")
    iota_i = lax.iota(jnp.int32, _L)
    iota_f = iota_i.astype(jnp.float32)
    base = tid * _CHUNK

    @pl.when(tid < _T - 1)
    def _():
        pltpu.sync_copy(feat.at[pl.ds(base * 28, _CHUNK * 28)], in_v)

    @pl.when(tid == _T - 1)
    def _():
        pltpu.sync_copy(feat.at[pl.ds(base * 28, _LAST * 28)],
                        in_v.at[pl.ds(0, _LAST * 28)])

    @pl.loop(0, _S)
    def _stage1(s):
        o = s * _L
        row = o + iota_i
        rowm = row * 28

        def g(col):
            return plsc.load_gather(in_v, [rowm + col])

        aw = g(2)
        ah = g(3)
        ox = jnp.clip(g(4) * aw, -_CTR_CLAMP, _CTR_CLAMP)
        oy = jnp.clip(g(5) * ah, -_CTR_CLAMP, _CTR_CLAMP)
        cx = g(0) + ox
        cy = g(1) + oy
        wx = aw * jnp.exp(jnp.minimum(g(6), _SCALE_CLAMP))
        wy = ah * jnp.exp(jnp.minimum(g(7), _SCALE_CLAMP))
        bx1 = cx - 0.5 * wx
        by1 = cy - 0.5 * wy
        bx2 = cx + 0.5 * wx
        by2 = cy + 0.5 * wy
        bestp = _sigmoid(g(8))
        bestc = jnp.zeros((_L,), jnp.float32)
        for kc in range(1, _NCLS):
            p = _sigmoid(g(8 + kc))
            upd = p > bestp
            bestp = jnp.where(upd, p, bestp)
            bestc = jnp.where(upd, float(kc), bestc)
        score = jnp.where(bestp >= _CONF, bestp, 0.0)
        score = jnp.where(base + row < _N, score, 0.0)
        offs = bestc * 4096.0
        ox1 = bx1 + offs
        oy1 = by1 + offs
        ox2 = bx2 + offs
        oy2 = by2 + offs
        fld[pl.ds(0 * _CP + o, _L)] = score
        fld[pl.ds(1 * _CP + o, _L)] = (base + row).astype(jnp.float32)
        fld[pl.ds(2 * _CP + o, _L)] = ox1
        fld[pl.ds(3 * _CP + o, _L)] = oy1
        fld[pl.ds(4 * _CP + o, _L)] = ox2
        fld[pl.ds(5 * _CP + o, _L)] = oy2
        fld[pl.ds(6 * _CP + o, _L)] = (ox2 - ox1) * (oy2 - oy1)
        fld[pl.ds(7 * _CP + o, _L)] = bx1
        fld[pl.ds(8 * _CP + o, _L)] = by1
        fld[pl.ds(9 * _CP + o, _L)] = bx2
        fld[pl.ds(10 * _CP + o, _L)] = by2

    bm0 = jnp.full((_L,), -1.0, jnp.float32)
    bi0 = jnp.zeros((_L,), jnp.float32)

    def _lane_finish(bm, bi):
        m = jnp.max(bm)
        return m, jnp.min(jnp.where(bm == m, bi, _BIG))

    def _amax(s, carry):
        bm, bi = carry
        o = s * _L
        sc = fld[pl.ds(o, _L)]
        gi = fld[pl.ds(_CP + o, _L)]
        upd = sc > bm
        return jnp.where(upd, sc, bm), jnp.where(upd, gi, bi)

    m0, li0 = _lane_finish(*lax.fori_loop(0, _S, _amax, (bm0, bi0), unroll=4))

    def _iter(k, carry):
        m, li = carry
        j = li.astype(jnp.int32) - base
        rec_v[...] = plsc.load_gather(fld, [iota_i * _CP + j])
        slot = jnp.bitwise_and(k, 1) * (_T * _L)
        pltpu.sync_copy(rec_v, shared.at[pl.ds(slot + tid * _L, _L)])
        plsc.subcore_barrier()
        pltpu.sync_copy(shared.at[pl.ds(slot, _T * _L)], all_v)
        sc_v = plsc.load_gather(all_v, [iota_i * _L])
        gi_v = plsc.load_gather(all_v, [iota_i * _L + 1])
        gm = jnp.max(sc_v)
        elig = sc_v == gm
        gsel = jnp.min(jnp.where(elig, gi_v, _BIG))
        tb = (gsel.astype(jnp.int32) // _CHUNK) * _L

        def bf(fi):
            return plsc.load_gather(all_v, [jnp.full((_L,), tb + fi, jnp.int32)])

        wx1 = bf(2)
        wy1 = bf(3)
        wx2 = bf(4)
        wy2 = bf(5)
        war = bf(6)

        @pl.when(tid == 0)
        def _():
            perm = jnp.where(iota_i < 4, iota_i + 7, 0)
            rowv = plsc.load_gather(all_v, [tb + perm])
            plsc.store_scatter(out_v, [jnp.full((_L,), k, jnp.int32), iota_i], rowv)

        gsv = jnp.full((_L,), gsel, jnp.float32)

        def _sup(s, carry2):
            bm, bi = carry2
            o = s * _L
            sc = fld[pl.ds(o, _L)]
            gi = fld[pl.ds(_CP + o, _L)]
            x1 = fld[pl.ds(2 * _CP + o, _L)]
            y1 = fld[pl.ds(3 * _CP + o, _L)]
            x2 = fld[pl.ds(4 * _CP + o, _L)]
            y2 = fld[pl.ds(5 * _CP + o, _L)]
            ar = fld[pl.ds(6 * _CP + o, _L)]
            xx1 = jnp.maximum(wx1, x1)
            yy1 = jnp.maximum(wy1, y1)
            xx2 = jnp.minimum(wx2, x2)
            yy2 = jnp.minimum(wy2, y2)
            w = jnp.maximum(1e-28, xx2 - xx1)
            h = jnp.maximum(1e-28, yy2 - yy1)
            inter = w * h
            iou = inter / (war + ar - inter + 1e-14)
            kill = (iou > _NMS_T) | (gi == gsv)
            sc = jnp.where(kill, 0.0, sc)
            fld[pl.ds(o, _L)] = sc
            upd = sc > bm
            return jnp.where(upd, sc, bm), jnp.where(upd, gi, bi)

        return _lane_finish(*lax.fori_loop(0, _S, _sup, (bm0, bi0), unroll=4))

    lax.fori_loop(0, _KEEP, _iter, (m0, li0))

    @pl.when(tid == 0)
    def _():
        pltpu.sync_copy(out_v, out)


@jax.jit
def _nms(anchor_boxes, pred_reg, cls_scores):
    mesh = plsc.VectorSubcoreMesh(
        core_axis_name="c", subcore_axis_name="s", num_cores=1, num_subcores=_T
    )
    cp = pltpu.CompilerParams(use_tc_tiling_on_sc=False)
    if "needs_layout_passes" in pltpu.CompilerParams.__dataclass_fields__:
        cp = dataclasses.replace(cp, needs_layout_passes=False)
    f = pl.kernel(
        _body,
        out_type=jax.ShapeDtypeStruct((_KEEP, _L), jnp.float32),
        mesh=mesh,
        compiler_params=cp,
        scratch_types=[
            pltpu.VMEM((_CHUNK * 28,), jnp.float32),
            pltpu.VMEM((_NF * _CP,), jnp.float32),
            pltpu.VMEM((_L,), jnp.float32),
            pltpu.VMEM((_T * _L,), jnp.float32),
            pltpu.VMEM((_KEEP, _L), jnp.float32),
            pltpu.VMEM_SHARED((2 * _T * _L,), jnp.float32),
        ],
    )
    feat = jnp.concatenate(
        [anchor_boxes, pred_reg, cls_scores], axis=1).reshape(-1)
    out16 = f(feat)
    return out16[:, :5]


def kernel(anchor_boxes, pred_reg, cls_scores):
    return _nms(anchor_boxes, pred_reg, cls_scores)

# --- scband reference (transcript-rebuilt; emitter-appended) ---
"""Pipeline reference for scband-yoloh-expand-66331474920202 (READ-ONLY COPY).

The authoritative reference and input builder live on the scoring server;
editing this copy changes nothing except your own understanding.
"""

import jax, jax.numpy as jnp
import numpy as np

DEFAULT_SCALE_CLAMP = float(np.log(1000.0 / 16))
CTR_CLAMP = 32.0
CONF_THRESH = 0.05
NMS_THRESH = 0.6
NUM_CLASSES = 20
KEEP = 100
N = 20000

def setup_inputs(seed: int = 0):
    key = jax.random.key(seed)
    k1, k2, k3, k4 = jax.random.split(key, 4)
    xy = jax.random.uniform(k1, (N, 2)) * 640.0
    wh = jax.random.uniform(k2, (N, 2)) * 112.0 + 16.0
    anchor_boxes = jnp.concatenate([xy, wh], axis=-1)
    pred_reg = jax.random.normal(k3, (N, 4)) * 0.5
    cls_scores = jax.random.normal(k4, (N, NUM_CLASSES)) * 2.0
    return {'anchor_boxes': anchor_boxes, 'pred_reg': pred_reg, 'cls_scores': cls_scores}

def _decode(anchor_boxes, pred_reg):
    # YOLOH_Expand.decode_boxes: anchors are (cx, cy, w, h)
    ctr_off = jnp.clip(pred_reg[..., :2] * anchor_boxes[..., 2:], -CTR_CLAMP, CTR_CLAMP)
    ctr = anchor_boxes[..., :2] + ctr_off
    dwdh = jnp.minimum(pred_reg[..., 2:], DEFAULT_SCALE_CLAMP)
    wh = anchor_boxes[..., 2:] * jnp.exp(dwdh)
    return jnp.concatenate([ctr - 0.5 * wh, ctr + 0.5 * wh], axis=-1)

def _iou_one_vs_all(box, boxes):
    xx1 = jnp.maximum(box[0], boxes[:, 0])
    yy1 = jnp.maximum(box[1], boxes[:, 1])
    xx2 = jnp.minimum(box[2], boxes[:, 2])
    yy2 = jnp.minimum(box[3], boxes[:, 3])
    w = jnp.maximum(1e-28, xx2 - xx1)
    h = jnp.maximum(1e-28, yy2 - yy1)
    inter = w * h
    area_i = (box[2] - box[0]) * (box[3] - box[1])
    areas = (boxes[:, 2] - boxes[:, 0]) * (boxes[:, 3] - boxes[:, 1])
    return inter / (area_i + areas - inter + 1e-14)

def _forward(anchor_boxes, pred_reg, cls_scores):
    boxes = _decode(anchor_boxes, pred_reg)
    probs = jax.nn.sigmoid(cls_scores)
    cls_inds = jnp.argmax(probs, axis=1)
    scores = jnp.max(probs, axis=1)
    # postprocess: conf_thresh filter expressed as masking (static shapes for jit)
    scores = jnp.where(scores >= CONF_THRESH, scores, 0.0)
    # class-aware NMS via per-class coordinate offset trick (classes never overlap)
    offset = cls_inds.astype(jnp.float32) * 4096.0
    off_boxes = boxes + offset[:, None]

    def step(active_scores, _):
        i = jnp.argmax(active_scores)
        sc = active_scores[i]
        iou = _iou_one_vs_all(off_boxes[i], off_boxes)
        suppress = iou > NMS_THRESH
        new_scores = jnp.where(suppress, 0.0, active_scores)
        new_scores = new_scores.at[i].set(0.0)
        return new_scores, (i, sc)

    _, (keep_idx, keep_sc) = jax.lax.scan(step, scores, None, length=KEEP)
    kept_boxes = boxes[keep_idx]
    return jnp.concatenate([kept_boxes, keep_sc[:, None]], axis=-1)

def reference(anchor_boxes, pred_reg, cls_scores):
    return _forward(anchor_boxes, pred_reg, cls_scores)

if __name__ == "__main__":
    import jax
    _d = setup_inputs()
    print(jax.jit(kernel)(*tuple(_d.values())))

</pallas_src>

<mosaic_0001>
#map = affine_map<(d0, d1) -> (0)>
#map1 = affine_map<(d0, d1) -> (0, 0)>
module attributes {stable_mosaic.version = 14 : i64} {
  func.func @_body(%arg0: i32, %arg1: i32, %arg2: memref<560000xf32, #tpu.memory_space<hbm>>, %arg3: memref<100x16xf32, #tpu.memory_space<hbm>>, %arg4: memref<35840xf32, #tpu.memory_space<vmem>>, %arg5: memref<20480xf32, #tpu.memory_space<vmem>>, %arg6: memref<16xf32, #tpu.memory_space<vmem>>, %arg7: memref<256xf32, #tpu.memory_space<vmem>>, %arg8: memref<100x16xf32, #tpu.memory_space<vmem>>, %arg9: memref<512xf32, #tpu.memory_space<vmem_shared>>) attributes {dimension_semantics = [#tpu.dimension_semantics<core_parallel>, #tpu.dimension_semantics<subcore_parallel>], iteration_bounds = array<i64: 1, 16>, scalar_prefetch = 0 : i64, scratch_operands = 6 : i64, tpu.core_type = #tpu.core_type<sc_vector_subcore>, window_params = [{transform_indices = #map}, {transform_indices = #map1}]} {
    %eq3A = arith.constant 0 : i32
    %eq3A_0 = arith.cmpi eq, %arg0, %eq3A : i32
    %convert_element_type3A = arith.extui %eq3A_0 : i1 to i32
    %cond3A = arith.constant 0 : i32
    %cond3A_1 = arith.cmpi ne, %convert_element_type3A, %cond3A : i32
    scf.if %cond3A_1 {
      %iota3A = tpu.iota {dimensions = array<i32: 0>} : vector<16xi32>
      %convert_element_type3A_2 = arith.sitofp %iota3A : vector<16xi32> to vector<16xf32>
      %mul3A = arith.constant 1280 : i32
      %mul3A_3 = arith.muli %arg1, %mul3A : i32
      %lt3A = arith.constant 15 : i32
      %lt3A_4 = arith.cmpi slt, %arg1, %lt3A : i32
      %convert_element_type3A_5 = arith.extui %lt3A_4 : i1 to i32
      %cond3A_6 = arith.constant 0 : i32
      %cond3A_7 = arith.cmpi ne, %convert_element_type3A_5, %cond3A_6 : i32
      scf.if %cond3A_7 {
        %mul3A_46 = arith.constant 28 : i32
        %mul3A_47 = arith.muli %mul3A_3, %mul3A_46 : i32
        "tpu.region"() ({
          %run_scoped3A = tpu.sem_alloc : memref<!tpu.dma_semaphore, #tpu.memory_space<semaphore_mem>>
          %dma_start3A = tpu.memref_slice %arg2[%mul3A_47] : memref<560000xf32, #tpu.memory_space<hbm>> -> memref<35840xf32, #tpu.memory_space<hbm>>
          %dma_start3A_48 = tpu.memref_slice %arg2[%mul3A_47] : memref<560000xf32, #tpu.memory_space<hbm>> -> memref<35840xf32, #tpu.memory_space<hbm>>
          tpu.enqueue_dma source(%dma_start3A_48 : memref<35840xf32, #tpu.memory_space<hbm>>) target(%arg4 : memref<35840xf32, #tpu.memory_space<vmem>>) target_semaphore(%run_scoped3A : memref<!tpu.dma_semaphore, #tpu.memory_space<semaphore_mem>>)
          %dma_wait3A = tpu.memref_slice %arg2[%mul3A_47] : memref<560000xf32, #tpu.memory_space<hbm>> -> memref<35840xf32, #tpu.memory_space<hbm>>
          %dma_wait3A_49 = tpu.memref_slice %arg2[%mul3A_47] : memref<560000xf32, #tpu.memory_space<hbm>> -> memref<35840xf32, #tpu.memory_space<hbm>>
          tpu.wait_dma2 semaphore(%run_scoped3A : memref<!tpu.dma_semaphore, #tpu.memory_space<semaphore_mem>>) src(%dma_wait3A_49 : memref<35840xf32, #tpu.memory_space<hbm>>) dst(%arg4 : memref<35840xf32, #tpu.memory_space<vmem>>)
          tpu.yield
        }) : () -> ()
      } else {
      }
      %eq3A_8 = arith.constant 15 : i32
      %eq3A_9 = arith.cmpi eq, %arg1, %eq3A_8 : i32
      %convert_element_type3A_10 = arith.extui %eq3A_9 : i1 to i32
      %cond3A_11 = arith.constant 0 : i32
      %cond3A_12 = arith.cmpi ne, %convert_element_type3A_10, %cond3A_11 : i32
      scf.if %cond3A_12 {
        %mul3A_46 = arith.constant 28 : i32
        %mul3A_47 = arith.muli %mul3A_3, %mul3A_46 : i32
        "tpu.region"() ({
          %run_scoped3A = tpu.sem_alloc : memref<!tpu.dma_semaphore, #tpu.memory_space<semaphore_mem>>
          %dma_start3A = arith.constant 0 : i32
          %dma_start3A_48 = tpu.memref_slice %arg4[%dma_start3A] : memref<35840xf32, #tpu.memory_space<vmem>> -> memref<22400xf32, #tpu.memory_space<vmem>>
          %dma_start3A_49 = tpu.memref_slice %arg2[%mul3A_47] : memref<560000xf32, #tpu.memory_space<hbm>> -> memref<22400xf32, #tpu.memory_space<hbm>>
          %dma_start3A_50 = arith.constant 0 : i32
          %dma_start3A_51 = tpu.memref_slice %arg4[%dma_start3A_50] : memref<35840xf32, #tpu.memory_space<vmem>> -> memref<22400xf32, #tpu.memory_space<vmem>>
          %dma_start3A_52 = tpu.memref_slice %arg2[%mul3A_47] : memref<560000xf32, #tpu.memory_space<hbm>> -> memref<22400xf32, #tpu.memory_space<hbm>>
          tpu.enqueue_dma source(%dma_start3A_52 : memref<22400xf32, #tpu.memory_space<hbm>>) target(%dma_start3A_51 : memref<22400xf32, #tpu.memory_space<vmem>>) target_semaphore(%run_scoped3A : memref<!tpu.dma_semaphore, #tpu.memory_space<semaphore_mem>>)
          %dma_wait3A = arith.constant 0 : i32
          %dma_wait3A_53 = tpu.memref_slice %arg4[%dma_wait3A] : memref<35840xf32, #tpu.memory_space<vmem>> -> memref<22400xf32, #tpu.memory_space<vmem>>
          %dma_wait3A_54 = tpu.memref_slice %arg2[%mul3A_47] : memref<560000xf32, #tpu.memory_space<hbm>> -> memref<22400xf32, #tpu.memory_space<hbm>>
          %dma_wait3A_55 = arith.constant 0 : i32
          %dma_wait3A_56 = tpu.memref_slice %arg4[%dma_wait3A_55] : memref<35840xf32, #tpu.memory_space<vmem>> -> memref<22400xf32, #tpu.memory_space<vmem>>
          %dma_wait3A_57 = tpu.memref_slice %arg2[%mul3A_47] : memref<560000xf32, #tpu.memory_space<hbm>> -> memref<22400xf32, #tpu.memory_space<hbm>>
          tpu.wait_dma2 semaphore(%run_scoped3A : memref<!tpu.dma_semaphore, #tpu.memory_space<semaphore_mem>>) src(%dma_wait3A_57 : memref<22400xf32, #tpu.memory_space<hbm>>) dst(%dma_wait3A_56 : memref<22400xf32, #tpu.memory_space<vmem>>)
          tpu.yield
        }) : () -> ()
      } else {
      }
      %scan3A = arith.constant 0 : i32
      %scan3A_13 = arith.constant 80 : i32
      %scan3A_14 = arith.addi %scan3A, %scan3A_13 : i32
      %scan3A_15 = arith.constant 1 : i32
      scf.for %scan3A_46 = %scan3A to %scan3A_14 step %scan3A_15  : i32 {
        %mul3A_47 = arith.constant 1 : i32
        %mul3A_48 = arith.muli %scan3A_46, %mul3A_47 : i32
        %add3A = arith.constant 0 : i32
        %add3A_49 = arith.addi %add3A, %mul3A_48 : i32
        %mul3A_50 = arith.constant 16 : i32
        %mul3A_51 = arith.muli %add3A_49, %mul3A_50 : i32
        %add3A_52 = vector.broadcast %mul3A_51 : i32 to vector<16xi32>
        %add3A_53 = arith.addi %add3A_52, %iota3A : vector<16xi32>
        %mul3A_54 = arith.constant 28 : i32
        %mul3A_55 = vector.broadcast %mul3A_54 : i32 to vector<16xi32>
        %mul3A_56 = arith.muli %add3A_53, %mul3A_55 : vector<16xi32>
        %add3A_57 = arith.constant 2 : i32
        %add3A_58 = vector.broadcast %add3A_57 : i32 to vector<16xi32>
        %add3A_59 = arith.addi %mul3A_56, %add3A_58 : vector<16xi32>
        %gather3A = tpu.vector_load_idx %arg4[%add3A_59] : memref<35840xf32, #tpu.memory_space<vmem>>[vector<16xi32>], vector<16xf32>,
        %add3A_60 = arith.constant 3 : i32
        %add3A_61 = vector.broadcast %add3A_60 : i32 to vector<16xi32>
        %add3A_62 = arith.addi %mul3A_56, %add3A_61 : vector<16xi32>
        %gather3A_63 = tpu.vector_load_idx %arg4[%add3A_62] : memref<35840xf32, #tpu.memory_space<vmem>>[vector<16xi32>], vector<16xf32>,
        %add3A_64 = arith.constant 4 : i32
        %add3A_65 = vector.broadcast %add3A_64 : i32 to vector<16xi32>
        %add3A_66 = arith.addi %mul3A_56, %add3A_65 : vector<16xi32>
        %gather3A_67 = tpu.vector_load_idx %arg4[%add3A_66] : memref<35840xf32, #tpu.memory_space<vmem>>[vector<16xi32>], vector<16xf32>,
        %mul3A_68 = arith.mulf %gather3A_67, %gather3A : vector<16xf32>
        %jit3A_69 = arith.constant -3.200000e+01 : f32
        %jit3A_70 = arith.constant 3.200000e+01 : f32
        %max3A = vector.broadcast %jit3A_69 : f32 to vector<16xf32>
        %max3A_71 = arith.maximumf %max3A, %mul3A_68 : vector<16xf32>
        %min3A = vector.broadcast %jit3A_70 : f32 to vector<16xf32>
        %min3A_72 = arith.minimumf %min3A, %max3A_71 : vector<16xf32>
        %add3A_73 = arith.constant 5 : i32
        %add3A_74 = vector.broadcast %add3A_73 : i32 to vector<16xi32>
        %add3A_75 = arith.addi %mul3A_56, %add3A_74 : vector<16xi32>
        %gather3A_76 = tpu.vector_load_idx %arg4[%add3A_75] : memref<35840xf32, #tpu.memory_space<vmem>>[vector<16xi32>], vector<16xf32>,
        %mul3A_77 = arith.mulf %gather3A_76, %gather3A_63 : vector<16xf32>
        %jit3A_78 = arith.constant -3.200000e+01 : f32
        %jit3A_79 = arith.constant 3.200000e+01 : f32
        %max3A_80 = vector.broadcast %jit3A_78 : f32 to vector<16xf32>
        %max3A_81 = arith.maximumf %max3A_80, %mul3A_77 : vector<16xf32>
        %min3A_82 = vector.broadcast %jit3A_79 : f32 to vector<16xf32>
        %min3A_83 = arith.minimumf %min3A_82, %max3A_81 : vector<16xf32>
        %add3A_84 = arith.constant 0 : i32
        %add3A_85 = vector.broadcast %add3A_84 : i32 to vector<16xi32>
        %add3A_86 = arith.addi %mul3A_56, %add3A_85 : vector<16xi32>
        %gather3A_87 = tpu.vector_load_idx %arg4[%add3A_86] : memref<35840xf32, #tpu.memory_space<vmem>>[vector<16xi32>], vector<16xf32>,
        %add3A_88 = arith.addf %gather3A_87, %min3A_72 : vector<16xf32>
        %add3A_89 = arith.constant 1 : i32
        %add3A_90 = vector.broadcast %add3A_89 : i32 to vector<16xi32>
        %add3A_91 = arith.addi %mul3A_56, %add3A_90 : vector<16xi32>
        %gather3A_92 = tpu.vector_load_idx %arg4[%add3A_91] : memref<35840xf32, #tpu.memory_space<vmem>>[vector<16xi32>], vector<16xf32>,
        %add3A_93 = arith.addf %gather3A_92, %min3A_83 : vector<16xf32>
        %add3A_94 = arith.constant 6 : i32
        %add3A_95 = vector.broadcast %add3A_94 : i32 to vector<16xi32>
        %add3A_96 = arith.addi %mul3A_56, %add3A_95 : vector<16xi32>
        %gather3A_97 = tpu.vector_load_idx %arg4[%add3A_96] : memref<35840xf32, #tpu.memory_space<vmem>>[vector<16xi32>], vector<16xf32>,
        %min3A_98 = arith.constant 4.13516665 : f32
        %min3A_99 = vector.broadcast %min3A_98 : f32 to vector<16xf32>
        %min3A_100 = arith.minimumf %gather3A_97, %min3A_99 : vector<16xf32>
        %exp3A = math.exp %min3A_100 : vector<16xf32>
        %mul3A_101 = arith.mulf %gather3A, %exp3A : vector<16xf32>
        %add3A_102 = arith.constant 7 : i32
        %add3A_103 = vector.broadcast %add3A_102 : i32 to vector<16xi32>
        %add3A_104 = arith.addi %mul3A_56, %add3A_103 : vector<16xi32>
        %gather3A_105 = tpu.vector_load_idx %arg4[%add3A_104] : memref<35840xf32, #tpu.memory_space<vmem>>[vector<16xi32>], vector<16xf32>,
        %min3A_106 = arith.constant 4.13516665 : f32
        %min3A_107 = vector.broadcast %min3A_106 : f32 to vector<16xf32>
        %min3A_108 = arith.minimumf %gather3A_105, %min3A_107 : vector<16xf32>
        %exp3A_109 = math.exp %min3A_108 : vector<16xf32>
        %mul3A_110 = arith.mulf %gather3A_63, %exp3A_109 : vector<16xf32>
        %mul3A_111 = arith.constant 5.000000e-01 : f32
        %mul3A_112 = vector.broadcast %mul3A_111 : f32 to vector<16xf32>
        %mul3A_113 = arith.mulf %mul3A_112, %mul3A_101 : vector<16xf32>
        %sub3A = arith.subf %add3A_88, %mul3A_113 : vector<16xf32>
        %mul3A_114 = arith.constant 5.000000e-01 : f32
        %mul3A_115 = vector.broadcast %mul3A_114 : f32 to vector<16xf32>
        %mul3A_116 = arith.mulf %mul3A_115, %mul3A_110 : vector<16xf32>
        %sub3A_117 = arith.subf %add3A_93, %mul3A_116 : vector<16xf32>
        %mul3A_118 = arith.constant 5.000000e-01 : f32
        %mul3A_119 = vector.broadcast %mul3A_118 : f32 to vector<16xf32>
        %mul3A_120 = arith.mulf %mul3A_119, %mul3A_101 : vector<16xf32>
        %add3A_121 = arith.addf %add3A_88, %mul3A_120 : vector<16xf32>
        %mul3A_122 = arith.constant 5.000000e-01 : f32
        %mul3A_123 = vector.broadcast %mul3A_122 : f32 to vector<16xf32>
        %mul3A_124 = arith.mulf %mul3A_123, %mul3A_110 : vector<16xf32>
        %add3A_125 = arith.addf %add3A_93, %mul3A_124 : vector<16xf32>
        %add3A_126 = arith.constant 8 : i32
        %add3A_127 = vector.broadcast %add3A_126 : i32 to vector<16xi32>
        %add3A_128 = arith.addi %mul3A_56, %add3A_127 : vector<16xi32>
        %gather3A_129 = tpu.vector_load_idx %arg4[%add3A_128] : memref<35840xf32, #tpu.memory_space<vmem>>[vector<16xi32>], vector<16xf32>,
        %neg3A = arith.constant 0.000000e+00 : f32
        %neg3A_130 = vector.broadcast %neg3A : f32 to vector<16xf32>
        %neg3A_131 = arith.subf %neg3A_130, %gather3A_129 : vector<16xf32>
        %exp3A_132 = math.exp %neg3A_131 : vector<16xf32>
        %add3A_133 = arith.constant 1.000000e+00 : f32
        %add3A_134 = vector.broadcast %add3A_133 : f32 to vector<16xf32>
        %add3A_135 = arith.addf %add3A_134, %exp3A_132 : vector<16xf32>
        %div3A = arith.constant 1.000000e+00 : f32
        %div3A_136 = vector.broadcast %div3A : f32 to vector<16xf32>
        %div3A_137 = arith.divf %div3A_136, %add3A_135 : vector<16xf32>
        %broadcast_in_dim3A_138 = arith.constant 0.000000e+00 : f32
        %broadcast_in_dim3A_139 = vector.broadcast %broadcast_in_dim3A_138 : f32 to vector<16xf32>
        %add3A_140 = arith.constant 9 : i32
        %add3A_141 = vector.broadcast %add3A_140 : i32 to vector<16xi32>
        %add3A_142 = arith.addi %mul3A_56, %add3A_141 : vector<16xi32>
        %gather3A_143 = tpu.vector_load_idx %arg4[%add3A_142] : memref<35840xf32, #tpu.memory_space<vmem>>[vector<16xi32>], vector<16xf32>,
        %neg3A_144 = arith.constant 0.000000e+00 : f32
        %neg3A_145 = vector.broadcast %neg3A_144 : f32 to vector<16xf32>
        %neg3A_146 = arith.subf %neg3A_145, %gather3A_143 : vector<16xf32>
        %exp3A_147 = math.exp %neg3A_146 : vector<16xf32>
        %add3A_148 = arith.constant 1.000000e+00 : f32
        %add3A_149 = vector.broadcast %add3A_148 : f32 to vector<16xf32>
        %add3A_150 = arith.addf %add3A_149, %exp3A_147 : vector<16xf32>
        %div3A_151 = arith.constant 1.000000e+00 : f32
        %div3A_152 = vector.broadcast %div3A_151 : f32 to vector<16xf32>
        %div3A_153 = arith.divf %div3A_152, %add3A_150 : vector<16xf32>
        %gt3A = arith.cmpf ogt, %div3A_153, %div3A_137 : vector<16xf32>
        %select_n3A_154 = arith.select %gt3A, %div3A_153, %div3A_137 : vector<16xi1>, vector<16xf32>
        %jit3A_155 = arith.constant 1.000000e+00 : f32
        %broadcast_in_dim3A_156 = vector.broadcast %jit3A_155 : f32 to vector<16xf32>
        %select_n3A_157 = arith.select %gt3A, %broadcast_in_dim3A_156, %broadcast_in_dim3A_139 : vector<16xi1>, vector<16xf32>
        %add3A_158 = arith.constant 10 : i32
        %add3A_159 = vector.broadcast %add3A_158 : i32 to vector<16xi32>
        %add3A_160 = arith.addi %mul3A_56, %add3A_159 : vector<16xi32>
        %gather3A_161 = tpu.vector_load_idx %arg4[%add3A_160] : memref<35840xf32, #tpu.memory_space<vmem>>[vector<16xi32>], vector<16xf32>,
        %neg3A_162 = arith.constant 0.000000e+00 : f32
        %neg3A_163 = vector.broadcast %neg3A_162 : f32 to vector<16xf32>
        %neg3A_164 = arith.subf %neg3A_163, %gather3A_161 : vector<16xf32>
        %exp3A_165 = math.exp %neg3A_164 : vector<16xf32>
        %add3A_166 = arith.constant 1.000000e+00 : f32
        %add3A_167 = vector.broadcast %add3A_166 : f32 to vector<16xf32>
        %add3A_168 = arith.addf %add3A_167, %exp3A_165 : vector<16xf32>
        %div3A_169 = arith.constant 1.000000e+00 : f32
        %div3A_170 = vector.broadcast %div3A_169 : f32 to vector<16xf32>
        %div3A_171 = arith.divf %div3A_170, %add3A_168 : vector<16xf32>
        %gt3A_172 = arith.cmpf ogt, %div3A_171, %select_n3A_154 : vector<16xf32>
        %select_n3A_173 = arith.select %gt3A_172, %div3A_171, %select_n3A_154 : vector<16xi1>, vector<16xf32>
        %jit3A_174 = arith.constant 2.000000e+00 : f32
        %broadcast_in_dim3A_175 = vector.broadcast %jit3A_174 : f32 to vector<16xf32>
        %select_n3A_176 = arith.select %gt3A_172, %broadcast_in_dim3A_175, %select_n3A_157 : vector<16xi1>, vector<16xf32>
        %add3A_177 = arith.constant 11 : i32
        %add3A_178 = vector.broadcast %add3A_177 : i32 to vector<16xi32>
        %add3A_179 = arith.addi %mul3A_56, %add3A_178 : vector<16xi32>
        %gather3A_180 = tpu.vector_load_idx %arg4[%add3A_179] : memref<35840xf32, #tpu.memory_space<vmem>>[vector<16xi32>], vector<16xf32>,
        %neg3A_181 = arith.constant 0.000000e+00 : f32
        %neg3A_182 = vector.broadcast %neg3A_181 : f32 to vector<16xf32>
        %neg3A_183 = arith.subf %neg3A_182, %gather3A_180 : vector<16xf32>
        %exp3A_184 = math.exp %neg3A_183 : vector<16xf32>
        %add3A_185 = arith.constant 1.000000e+00 : f32
        %add3A_186 = vector.broadcast %add3A_185 : f32 to vector<16xf32>
        %add3A_187 = arith.addf %add3A_186, %exp3A_184 : vector<16xf32>
        %div3A_188 = arith.constant 1.000000e+00 : f32
        %div3A_189 = vector.broadcast %div3A_188 : f32 to vector<16xf32>
        %div3A_190 = arith.divf %div3A_189, %add3A_187 : vector<16xf32>
        %gt3A_191 = arith.cmpf ogt, %div3A_190, %select_n3A_173 : vector<16xf32>
        %select_n3A_192 = arith.select %gt3A_191, %div3A_190, %select_n3A_173 : vector<16xi1>, vector<16xf32>
        %jit3A_193 = arith.constant 3.000000e+00 : f32
        %broadcast_in_dim3A_194 = vector.broadcast %jit3A_193 : f32 to vector<16xf32>
        %select_n3A_195 = arith.select %gt3A_191, %broadcast_in_dim3A_194, %select_n3A_176 : vector<16xi1>, vector<16xf32>
        %add3A_196 = arith.constant 12 : i32
        %add3A_197 = vector.broadcast %add3A_196 : i32 to vector<16xi32>
        %add3A_198 = arith.addi %mul3A_56, %add3A_197 : vector<16xi32>
        %gather3A_199 = tpu.vector_load_idx %arg4[%add3A_198] : memref<35840xf32, #tpu.memory_space<vmem>>[vector<16xi32>], vector<16xf32>,
        %neg3A_200 = arith.constant 0.000000e+00 : f32
        %neg3A_201 = vector.broadcast %neg3A_200 : f32 to vector<16xf32>
        %neg3A_202 = arith.subf %neg3A_201, %gather3A_199 : vector<16xf32>
        %exp3A_203 = math.exp %neg3A_202 : vector<16xf32>
        %add3A_204 = arith.constant 1.000000e+00 : f32
        %add3A_205 = vector.broadcast %add3A_204 : f32 to vector<16xf32>
        %add3A_206 = arith.addf %add3A_205, %exp3A_203 : vector<16xf32>
        %div3A_207 = arith.constant 1.000000e+00 : f32
        %div3A_208 = vector.broadcast %div3A_207 : f32 to vector<16xf32>
        %div3A_209 = arith.divf %div3A_208, %add3A_206 : vector<16xf32>
        %gt3A_210 = arith.cmpf ogt, %div3A_209, %select_n3A_192 : vector<16xf32>
        %select_n3A_211 = arith.select %gt3A_210, %div3A_209, %select_n3A_192 : vector<16xi1>, vector<16xf32>
        %jit3A_212 = arith.constant 4.000000e+00 : f32
        %broadcast_in_dim3A_213 = vector.broadcast %jit3A_212 : f32 to vector<16xf32>
        %select_n3A_214 = arith.select %gt3A_210, %broadcast_in_dim3A_213, %select_n3A_195 : vector<16xi1>, vector<16xf32>
        %add3A_215 = arith.constant 13 : i32
        %add3A_216 = vector.broadcast %add3A_215 : i32 to vector<16xi32>
        %add3A_217 = arith.addi %mul3A_56, %add3A_216 : vector<16xi32>
        %gather3A_218 = tpu.vector_load_idx %arg4[%add3A_217] : memref<35840xf32, #tpu.memory_space<vmem>>[vector<16xi32>], vector<16xf32>,
        %neg3A_219 = arith.constant 0.000000e+00 : f32
        %neg3A_220 = vector.broadcast %neg3A_219 : f32 to vector<16xf32>
        %neg3A_221 = arith.subf %neg3A_220, %gather3A_218 : vector<16xf32>
        %exp3A_222 = math.exp %neg3A_221 : vector<16xf32>
        %add3A_223 = arith.constant 1.000000e+00 : f32
        %add3A_224 = vector.broadcast %add3A_223 : f32 to vector<16xf32>
        %add3A_225 = arith.addf %add3A_224, %exp3A_222 : vector<16xf32>
        %div3A_226 = arith.constant 1.000000e+00 : f32
        %div3A_227 = vector.broadcast %div3A_226 : f32 to vector<16xf32>
        %div3A_228 = arith.divf %div3A_227, %add3A_225 : vector<16xf32>
        %gt3A_229 = arith.cmpf ogt, %div3A_228, %select_n3A_211 : vector<16xf32>
        %select_n3A_230 = arith.select %gt3A_229, %div3A_228, %select_n3A_211 : vector<16xi1>, vector<16xf32>
        %jit3A_231 = arith.constant 5.000000e+00 : f32
        %broadcast_in_dim3A_232 = vector.broadcast %jit3A_231 : f32 to vector<16xf32>
        %select_n3A_233 = arith.select %gt3A_229, %broadcast_in_dim3A_232, %select_n3A_214 : vector<16xi1>, vector<16xf32>
        %add3A_234 = arith.constant 14 : i32
        %add3A_235 = vector.broadcast %add3A_234 : i32 to vector<16xi32>
        %add3A_236 = arith.addi %mul3A_56, %add3A_235 : vector<16xi32>
        %gather3A_237 = tpu.vector_load_idx %arg4[%add3A_236] : memref<35840xf32, #tpu.memory_space<vmem>>[vector<16xi32>], vector<16xf32>,
        %neg3A_238 = arith.constant 0.000000e+00 : f32
        %neg3A_239 = vector.broadcast %neg3A_238 : f32 to vector<16xf32>
        %neg3A_240 = arith.subf %neg3A_239, %gather3A_237 : vector<16xf32>
        %exp3A_241 = math.exp %neg3A_240 : vector<16xf32>
        %add3A_242 = arith.constant 1.000000e+00 : f32
        %add3A_243 = vector.broadcast %add3A_242 : f32 to vector<16xf32>
        %add3A_244 = arith.addf %add3A_243, %exp3A_241 : vector<16xf32>
        %div3A_245 = arith.constant 1.000000e+00 : f32
        %div3A_246 = vector.broadcast %div3A_245 : f32 to vector<16xf32>
        %div3A_247 = arith.divf %div3A_246, %add3A_244 : vector<16xf32>
        %gt3A_248 = arith.cmpf ogt, %div3A_247, %select_n3A_230 : vector<16xf32>
        %select_n3A_249 = arith.select %gt3A_248, %div3A_247, %select_n3A_230 : vector<16xi1>, vector<16xf32>
        %jit3A_250 = arith.constant 6.000000e+00 : f32
        %broadcast_in_dim3A_251 = vector.broadcast %jit3A_250 : f32 to vector<16xf32>
        %select_n3A_252 = arith.select %gt3A_248, %broadcast_in_dim3A_251, %select_n3A_233 : vector<16xi1>, vector<16xf32>
        %add3A_253 = arith.constant 15 : i32
        %add3A_254 = vector.broadcast %add3A_253 : i32 to vector<16xi32>
        %add3A_255 = arith.addi %mul3A_56, %add3A_254 : vector<16xi32>
        %gather3A_256 = tpu.vector_load_idx %arg4[%add3A_255] : memref<35840xf32, #tpu.memory_space<vmem>>[vector<16xi32>], vector<16xf32>,
        %neg3A_257 = arith.constant 0.000000e+00 : f32
        %neg3A_258 = vector.broadcast %neg3A_257 : f32 to vector<16xf32>
        %neg3A_259 = arith.subf %neg3A_258, %gather3A_256 : vector<16xf32>
        %exp3A_260 = math.exp %neg3A_259 : vector<16xf32>
        %add3A_261 = arith.constant 1.000000e+00 : f32
        %add3A_262 = vector.broadcast %add3A_261 : f32 to vector<16xf32>
        %add3A_263 = arith.addf %add3A_262, %exp3A_260 : vector<16xf32>
        %div3A_264 = arith.constant 1.000000e+00 : f32
        %div3A_265 = vector.broadcast %div3A_264 : f32 to vector<16xf32>
        %div3A_266 = arith.divf %div3A_265, %add3A_263 : vector<16xf32>
        %gt3A_267 = arith.cmpf ogt, %div3A_266, %select_n3A_249 : vector<16xf32>
        %select_n3A_268 = arith.select %gt3A_267, %div3A_266, %select_n3A_249 : vector<16xi1>, vector<16xf32>
        %jit3A_269 = arith.constant 7.000000e+00 : f32
        %broadcast_in_dim3A_270 = vector.broadcast %jit3A_269 : f32 to vector<16xf32>
        %select_n3A_271 = arith.select %gt3A_267, %broadcast_in_dim3A_270, %select_n3A_252 : vector<16xi1>, vector<16xf32>
        %add3A_272 = arith.constant 16 : i32
        %add3A_273 = vector.broadcast %add3A_272 : i32 to vector<16xi32>
        %add3A_274 = arith.addi %mul3A_56, %add3A_273 : vector<16xi32>
        %gather3A_275 = tpu.vector_load_idx %arg4[%add3A_274] : memref<35840xf32, #tpu.memory_space<vmem>>[vector<16xi32>], vector<16xf32>,
        %neg3A_276 = arith.constant 0.000000e+00 : f32
        %neg3A_277 = vector.broadcast %neg3A_276 : f32 to vector<16xf32>
        %neg3A_278 = arith.subf %neg3A_277, %gather3A_275 : vector<16xf32>
        %exp3A_279 = math.exp %neg3A_278 : vector<16xf32>
        %add3A_280 = arith.constant 1.000000e+00 : f32
        %add3A_281 = vector.broadcast %add3A_280 : f32 to vector<16xf32>
        %add3A_282 = arith.addf %add3A_281, %exp3A_279 : vector<16xf32>
        %div3A_283 = arith.constant 1.000000e+00 : f32
        %div3A_284 = vector.broadcast %div3A_283 : f32 to vector<16xf32>
        %div3A_285 = arith.divf %div3A_284, %add3A_282 : vector<16xf32>
        %gt3A_286 = arith.cmpf ogt, %div3A_285, %select_n3A_268 : vector<16xf32>
        %select_n3A_287 = arith.select %gt3A_286, %div3A_285, %select_n3A_268 : vector<16xi1>, vector<16xf32>
        %jit3A_288 = arith.constant 8.000000e+00 : f32
        %broadcast_in_dim3A_289 = vector.broadcast %jit3A_288 : f32 to vector<16xf32>
        %select_n3A_290 = arith.select %gt3A_286, %broadcast_in_dim3A_289, %select_n3A_271 : vector<16xi1>, vector<16xf32>
        %add3A_291 = arith.constant 17 : i32
        %add3A_292 = vector.broadcast %add3A_291 : i32 to vector<16xi32>
        %add3A_293 = arith.addi %mul3A_56, %add3A_292 : vector<16xi32>
        %gather3A_294 = tpu.vector_load_idx %arg4[%add3A_293] : memref<35840xf32, #tpu.memory_space<vmem>>[vector<16xi32>], vector<16xf32>,
        %neg3A_295 = arith.constant 0.000000e+00 : f32
        %neg3A_296 = vector.broadcast %neg3A_295 : f32 to vector<16xf32>
        %neg3A_297 = arith.subf %neg3A_296, %gather3A_294 : vector<16xf32>
        %exp3A_298 = math.exp %neg3A_297 : vector<16xf32>
        %add3A_299 = arith.constant 1.000000e+00 : f32
        %add3A_300 = vector.broadcast %add3A_299 : f32 to vector<16xf32>
        %add3A_301 = arith.addf %add3A_300, %exp3A_298 : vector<16xf32>
        %div3A_302 = arith.constant 1.000000e+00 : f32
        %div3A_303 = vector.broadcast %div3A_302 : f32 to vector<16xf32>
        %div3A_304 = arith.divf %div3A_303, %add3A_301 : vector<16xf32>
        %gt3A_305 = arith.cmpf ogt, %div3A_304, %select_n3A_287 : vector<16xf32>
        %select_n3A_306 = arith.select %gt3A_305, %div3A_304, %select_n3A_287 : vector<16xi1>, vector<16xf32>
        %jit3A_307 = arith.constant 9.000000e+00 : f32
        %broadcast_in_dim3A_308 = vector.broadcast %jit3A_307 : f32 to vector<16xf32>
        %select_n3A_309 = arith.select %gt3A_305, %broadcast_in_dim3A_308, %select_n3A_290 : vector<16xi1>, vector<16xf32>
        %add3A_310 = arith.constant 18 : i32
        %add3A_311 = vector.broadcast %add3A_310 : i32 to vector<16xi32>
        %add3A_312 = arith.addi %mul3A_56, %add3A_311 : vector<16xi32>
        %gather3A_313 = tpu.vector_load_idx %arg4[%add3A_312] : memref<35840xf32, #tpu.memory_space<vmem>>[vector<16xi32>], vector<16xf32>,
        %neg3A_314 = arith.constant 0.000000e+00 : f32
        %neg3A_315 = vector.broadcast %neg3A_314 : f32 to vector<16xf32>
        %neg3A_316 = arith.subf %neg3A_315, %gather3A_313 : vector<16xf32>
        %exp3A_317 = math.exp %neg3A_316 : vector<16xf32>
        %add3A_318 = arith.constant 1.000000e+00 : f32
        %add3A_319 = vector.broadcast %add3A_318 : f32 to vector<16xf32>
        %add3A_320 = arith.addf %add3A_319, %exp3A_317 : vector<16xf32>
        %div3A_321 = arith.constant 1.000000e+00 : f32
        %div3A_322 = vector.broadcast %div3A_321 : f32 to vector<16xf32>
        %div3A_323 = arith.divf %div3A_322, %add3A_320 : vector<16xf32>
        %gt3A_324 = arith.cmpf ogt, %div3A_323, %select_n3A_306 : vector<16xf32>
        %select_n3A_325 = arith.select %gt3A_324, %div3A_323, %select_n3A_306 : vector<16xi1>, vector<16xf32>
        %jit3A_326 = arith.constant 1.000000e+01 : f32
        %broadcast_in_dim3A_327 = vector.broadcast %jit3A_326 : f32 to vector<16xf32>
        %select_n3A_328 = arith.select %gt3A_324, %broadcast_in_dim3A_327, %select_n3A_309 : vector<16xi1>, vector<16xf32>
        %add3A_329 = arith.constant 19 : i32
        %add3A_330 = vector.broadcast %add3A_329 : i32 to vector<16xi32>
        %add3A_331 = arith.addi %mul3A_56, %add3A_330 : vector<16xi32>
        %gather3A_332 = tpu.vector_load_idx %arg4[%add3A_331] : memref<35840xf32, #tpu.memory_space<vmem>>[vector<16xi32>], vector<16xf32>,
        %neg3A_333 = arith.constant 0.000000e+00 : f32
        %neg3A_334 = vector.broadcast %neg3A_333 : f32 to vector<16xf32>
        %neg3A_335 = arith.subf %neg3A_334, %gather3A_332 : vector<16xf32>
        %exp3A_336 = math.exp %neg3A_335 : vector<16xf32>
        %add3A_337 = arith.constant 1.000000e+00 : f32
        %add3A_338 = vector.broadcast %add3A_337 : f32 to vector<16xf32>
        %add3A_339 = arith.addf %add3A_338, %exp3A_336 : vector<16xf32>
        %div3A_340 = arith.constant 1.000000e+00 : f32
        %div3A_341 = vector.broadcast %div3A_340 : f32 to vector<16xf32>
        %div3A_342 = arith.divf %div3A_341, %add3A_339 : vector<16xf32>
        %gt3A_343 = arith.cmpf ogt, %div3A_342, %select_n3A_325 : vector<16xf32>
        %select_n3A_344 = arith.select %gt3A_343, %div3A_342, %select_n3A_325 : vector<16xi1>, vector<16xf32>
        %jit3A_345 = arith.constant 1.100000e+01 : f32
        %broadcast_in_dim3A_346 = vector.broadcast %jit3A_345 : f32 to vector<16xf32>
        %select_n3A_347 = arith.select %gt3A_343, %broadcast_in_dim3A_346, %select_n3A_328 : vector<16xi1>, vector<16xf32>
        %add3A_348 = arith.constant 20 : i32
        %add3A_349 = vector.broadcast %add3A_348 : i32 to vector<16xi32>
        %add3A_350 = arith.addi %mul3A_56, %add3A_349 : vector<16xi32>
        %gather3A_351 = tpu.vector_load_idx %arg4[%add3A_350] : memref<35840xf32, #tpu.memory_space<vmem>>[vector<16xi32>], vector<16xf32>,
        %neg3A_352 = arith.constant 0.000000e+00 : f32
        %neg3A_353 = vector.broadcast %neg3A_352 : f32 to vector<16xf32>
        %neg3A_354 = arith.subf %neg3A_353, %gather3A_351 : vector<16xf32>
        %exp3A_355 = math.exp %neg3A_354 : vector<16xf32>
        %add3A_356 = arith.constant 1.000000e+00 : f32
        %add3A_357 = vector.broadcast %add3A_356 : f32 to vector<16xf32>
        %add3A_358 = arith.addf %add3A_357, %exp3A_355 : vector<16xf32>
        %div3A_359 = arith.constant 1.000000e+00 : f32
        %div3A_360 = vector.broadcast %div3A_359 : f32 to vector<16xf32>
        %div3A_361 = arith.divf %div3A_360, %add3A_358 : vector<16xf32>
        %gt3A_362 = arith.cmpf ogt, %div3A_361, %select_n3A_344 : vector<16xf32>
        %select_n3A_363 = arith.select %gt3A_362, %div3A_361, %select_n3A_344 : vector<16xi1>, vector<16xf32>
        %jit3A_364 = arith.constant 1.200000e+01 : f32
        %broadcast_in_dim3A_365 = vector.broadcast %jit3A_364 : f32 to vector<16xf32>
        %select_n3A_366 = arith.select %gt3A_362, %broadcast_in_dim3A_365, %select_n3A_347 : vector<16xi1>, vector<16xf32>
        %add3A_367 = arith.constant 21 : i32
        %add3A_368 = vector.broadcast %add3A_367 : i32 to vector<16xi32>
        %add3A_369 = arith.addi %mul3A_56, %add3A_368 : vector<16xi32>
        %gather3A_370 = tpu.vector_load_idx %arg4[%add3A_369] : memref<35840xf32, #tpu.memory_space<vmem>>[vector<16xi32>], vector<16xf32>,
        %neg3A_371 = arith.constant 0.000000e+00 : f32
        %neg3A_372 = vector.broadcast %neg3A_371 : f32 to vector<16xf32>
        %neg3A_373 = arith.subf %neg3A_372, %gather3A_370 : vector<16xf32>
        %exp3A_374 = math.exp %neg3A_373 : vector<16xf32>
        %add3A_375 = arith.constant 1.000000e+00 : f32
        %add3A_376 = vector.broadcast %add3A_375 : f32 to vector<16xf32>
        %add3A_377 = arith.addf %add3A_376, %exp3A_374 : vector<16xf32>
        %div3A_378 = arith.constant 1.000000e+00 : f32
        %div3A_379 = vector.broadcast %div3A_378 : f32 to vector<16xf32>
        %div3A_380 = arith.divf %div3A_379, %add3A_377 : vector<16xf32>
        %gt3A_381 = arith.cmpf ogt, %div3A_380, %select_n3A_363 : vector<16xf32>
        %select_n3A_382 = arith.select %gt3A_381, %div3A_380, %select_n3A_363 : vector<16xi1>, vector<16xf32>
        %jit3A_383 = arith.constant 1.300000e+01 : f32
        %broadcast_in_dim3A_384 = vector.broadcast %jit3A_383 : f32 to vector<16xf32>
        %select_n3A_385 = arith.select %gt3A_381, %broadcast_in_dim3A_384, %select_n3A_366 : vector<16xi1>, vector<16xf32>
        %add3A_386 = arith.constant 22 : i32
        %add3A_387 = vector.broadcast %add3A_386 : i32 to vector<16xi32>
        %add3A_388 = arith.addi %mul3A_56, %add3A_387 : vector<16xi32>
        %gather3A_389 = tpu.vector_load_idx %arg4[%add3A_388] : memref<35840xf32, #tpu.memory_space<vmem>>[vector<16xi32>], vector<16xf32>,
        %neg3A_390 = arith.constant 0.000000e+00 : f32
        %neg3A_391 = vector.broadcast %neg3A_390 : f32 to vector<16xf32>
        %neg3A_392 = arith.subf %neg3A_391, %gather3A_389 : vector<16xf32>
        %exp3A_393 = math.exp %neg3A_392 : vector<16xf32>
        %add3A_394 = arith.constant 1.000000e+00 : f32
        %add3A_395 = vector.broadcast %add3A_394 : f32 to vector<16xf32>
        %add3A_396 = arith.addf %add3A_395, %exp3A_393 : vector<16xf32>
        %div3A_397 = arith.constant 1.000000e+00 : f32
        %div3A_398 = vector.broadcast %div3A_397 : f32 to vector<16xf32>
        %div3A_399 = arith.divf %div3A_398, %add3A_396 : vector<16xf32>
        %gt3A_400 = arith.cmpf ogt, %div3A_399, %select_n3A_382 : vector<16xf32>
        %select_n3A_401 = arith.select %gt3A_400, %div3A_399, %select_n3A_382 : vector<16xi1>, vector<16xf32>
        %jit3A_402 = arith.constant 1.400000e+01 : f32
        %broadcast_in_dim3A_403 = vector.broadcast %jit3A_402 : f32 to vector<16xf32>
        %select_n3A_404 = arith.select %gt3A_400, %broadcast_in_dim3A_403, %select_n3A_385 : vector<16xi1>, vector<16xf32>
        %add3A_405 = arith.constant 23 : i32
        %add3A_406 = vector.broadcast %add3A_405 : i32 to vector<16xi32>
        %add3A_407 = arith.addi %mul3A_56, %add3A_406 : vector<16xi32>
        %gather3A_408 = tpu.vector_load_idx %arg4[%add3A_407] : memref<35840xf32, #tpu.memory_space<vmem>>[vector<16xi32>], vector<16xf32>,
        %neg3A_409 = arith.constant 0.000000e+00 : f32
        %neg3A_410 = vector.broadcast %neg3A_409 : f32 to vector<16xf32>
        %neg3A_411 = arith.subf %neg3A_410, %gather3A_408 : vector<16xf32>
        %exp3A_412 = math.exp %neg3A_411 : vector<16xf32>
        %add3A_413 = arith.constant 1.000000e+00 : f32
        %add3A_414 = vector.broadcast %add3A_413 : f32 to vector<16xf32>
        %add3A_415 = arith.addf %add3A_414, %exp3A_412 : vector<16xf32>
        %div3A_416 = arith.constant 1.000000e+00 : f32
        %div3A_417 = vector.broadcast %div3A_416 : f32 to vector<16xf32>
        %div3A_418 = arith.divf %div3A_417, %add3A_415 : vector<16xf32>
        %gt3A_419 = arith.cmpf ogt, %div3A_418, %select_n3A_401 : vector<16xf32>
        %select_n3A_420 = arith.select %gt3A_419, %div3A_418, %select_n3A_401 : vector<16xi1>, vector<16xf32>
        %jit3A_421 = arith.constant 1.500000e+01 : f32
        %broadcast_in_dim3A_422 = vector.broadcast %jit3A_421 : f32 to vector<16xf32>
        %select_n3A_423 = arith.select %gt3A_419, %broadcast_in_dim3A_422, %select_n3A_404 : vector<16xi1>, vector<16xf32>
        %add3A_424 = arith.constant 24 : i32
        %add3A_425 = vector.broadcast %add3A_424 : i32 to vector<16xi32>
        %add3A_426 = arith.addi %mul3A_56, %add3A_425 : vector<16xi32>
        %gather3A_427 = tpu.vector_load_idx %arg4[%add3A_426] : memref<35840xf32, #tpu.memory_space<vmem>>[vector<16xi32>], vector<16xf32>,
        %neg3A_428 = arith.constant 0.000000e+00 : f32
        %neg3A_429 = vector.broadcast %neg3A_428 : f32 to vector<16xf32>
        %neg3A_430 = arith.subf %neg3A_429, %gather3A_427 : vector<16xf32>
        %exp3A_431 = math.exp %neg3A_430 : vector<16xf32>
        %add3A_432 = arith.constant 1.000000e+00 : f32
        %add3A_433 = vector.broadcast %add3A_432 : f32 to vector<16xf32>
        %add3A_434 = arith.addf %add3A_433, %exp3A_431 : vector<16xf32>
        %div3A_435 = arith.constant 1.000000e+00 : f32
        %div3A_436 = vector.broadcast %div3A_435 : f32 to vector<16xf32>
        %div3A_437 = arith.divf %div3A_436, %add3A_434 : vector<16xf32>
        %gt3A_438 = arith.cmpf ogt, %div3A_437, %select_n3A_420 : vector<16xf32>
        %select_n3A_439 = arith.select %gt3A_438, %div3A_437, %select_n3A_420 : vector<16xi1>, vector<16xf32>
        %jit3A_440 = arith.constant 1.600000e+01 : f32
        %broadcast_in_dim3A_441 = vector.broadcast %jit3A_440 : f32 to vector<16xf32>
        %select_n3A_442 = arith.select %gt3A_438, %broadcast_in_dim3A_441, %select_n3A_423 : vector<16xi1>, vector<16xf32>
        %add3A_443 = arith.constant 25 : i32
        %add3A_444 = vector.broadcast %add3A_443 : i32 to vector<16xi32>
        %add3A_445 = arith.addi %mul3A_56, %add3A_444 : vector<16xi32>
        %gather3A_446 = tpu.vector_load_idx %arg4[%add3A_445] : memref<35840xf32, #tpu.memory_space<vmem>>[vector<16xi32>], vector<16xf32>,
        %neg3A_447 = arith.constant 0.000000e+00 : f32
        %neg3A_448 = vector.broadcast %neg3A_447 : f32 to vector<16xf32>
        %neg3A_449 = arith.subf %neg3A_448, %gather3A_446 : vector<16xf32>
        %exp3A_450 = math.exp %neg3A_449 : vector<16xf32>
        %add3A_451 = arith.constant 1.000000e+00 : f32
        %add3A_452 = vector.broadcast %add3A_451 : f32 to vector<16xf32>
        %add3A_453 = arith.addf %add3A_452, %exp3A_450 : vector<16xf32>
        %div3A_454 = arith.constant 1.000000e+00 : f32
        %div3A_455 = vector.broadcast %div3A_454 : f32 to vector<16xf32>
        %div3A_456 = arith.divf %div3A_455, %add3A_453 : vector<16xf32>
        %gt3A_457 = arith.cmpf ogt, %div3A_456, %select_n3A_439 : vector<16xf32>
        %select_n3A_458 = arith.select %gt3A_457, %div3A_456, %select_n3A_439 : vector<16xi1>, vector<16xf32>
        %jit3A_459 = arith.constant 1.700000e+01 : f32
        %broadcast_in_dim3A_460 = vector.broadcast %jit3A_459 : f32 to vector<16xf32>
        %select_n3A_461 = arith.select %gt3A_457, %broadcast_in_dim3A_460, %select_n3A_442 : vector<16xi1>, vector<16xf32>
        %add3A_462 = arith.constant 26 : i32
        %add3A_463 = vector.broadcast %add3A_462 : i32 to vector<16xi32>
        %add3A_464 = arith.addi %mul3A_56, %add3A_463 : vector<16xi32>
        %gather3A_465 = tpu.vector_load_idx %arg4[%add3A_464] : memref<35840xf32, #tpu.memory_space<vmem>>[vector<16xi32>], vector<16xf32>,
        %neg3A_466 = arith.constant 0.000000e+00 : f32
        %neg3A_467 = vector.broadcast %neg3A_466 : f32 to vector<16xf32>
        %neg3A_468 = arith.subf %neg3A_467, %gather3A_465 : vector<16xf32>
        %exp3A_469 = math.exp %neg3A_468 : vector<16xf32>
        %add3A_470 = arith.constant 1.000000e+00 : f32
        %add3A_471 = vector.broadcast %add3A_470 : f32 to vector<16xf32>
        %add3A_472 = arith.addf %add3A_471, %exp3A_469 : vector<16xf32>
        %div3A_473 = arith.constant 1.000000e+00 : f32
        %div3A_474 = vector.broadcast %div3A_473 : f32 to vector<16xf32>
        %div3A_475 = arith.divf %div3A_474, %add3A_472 : vector<16xf32>
        %gt3A_476 = arith.cmpf ogt, %div3A_475, %select_n3A_458 : vector<16xf32>
        %select_n3A_477 = arith.select %gt3A_476, %div3A_475, %select_n3A_458 : vector<16xi1>, vector<16xf32>
        %jit3A_478 = arith.constant 1.800000e+01 : f32
        %broadcast_in_dim3A_479 = vector.broadcast %jit3A_478 : f32 to vector<16xf32>
        %select_n3A_480 = arith.select %gt3A_476, %broadcast_in_dim3A_479, %select_n3A_461 : vector<16xi1>, vector<16xf32>
        %add3A_481 = arith.constant 27 : i32
        %add3A_482 = vector.broadcast %add3A_481 : i32 to vector<16xi32>
        %add3A_483 = arith.addi %mul3A_56, %add3A_482 : vector<16xi32>
        %gather3A_484 = tpu.vector_load_idx %arg4[%add3A_483] : memref<35840xf32, #tpu.memory_space<vmem>>[vector<16xi32>], vector<16xf32>,
        %neg3A_485 = arith.constant 0.000000e+00 : f32
        %neg3A_486 = vector.broadcast %neg3A_485 : f32 to vector<16xf32>
        %neg3A_487 = arith.subf %neg3A_486, %gather3A_484 : vector<16xf32>
        %exp3A_488 = math.exp %neg3A_487 : vector<16xf32>
        %add3A_489 = arith.constant 1.000000e+00 : f32
        %add3A_490 = vector.broadcast %add3A_489 : f32 to vector<16xf32>
        %add3A_491 = arith.addf %add3A_490, %exp3A_488 : vector<16xf32>
        %div3A_492 = arith.constant 1.000000e+00 : f32
        %div3A_493 = vector.broadcast %div3A_492 : f32 to vector<16xf32>
        %div3A_494 = arith.divf %div3A_493, %add3A_491 : vector<16xf32>
        %gt3A_495 = arith.cmpf ogt, %div3A_494, %select_n3A_477 : vector<16xf32>
        %select_n3A_496 = arith.select %gt3A_495, %div3A_494, %select_n3A_477 : vector<16xi1>, vector<16xf32>
        %jit3A_497 = arith.constant 1.900000e+01 : f32
        %broadcast_in_dim3A_498 = vector.broadcast %jit3A_497 : f32 to vector<16xf32>
        %select_n3A_499 = arith.select %gt3A_495, %broadcast_in_dim3A_498, %select_n3A_480 : vector<16xi1>, vector<16xf32>
        %ge3A = arith.constant 5.000000e-02 : f32
        %ge3A_500 = vector.broadcast %ge3A : f32 to vector<16xf32>
        %ge3A_501 = arith.cmpf oge, %select_n3A_496, %ge3A_500 : vector<16xf32>
        %jit3A_502 = arith.constant 0.000000e+00 : f32
        %broadcast_in_dim3A_503 = vector.broadcast %jit3A_502 : f32 to vector<16xf32>
        %select_n3A_504 = arith.select %ge3A_501, %select_n3A_496, %broadcast_in_dim3A_503 : vector<16xi1>, vector<16xf32>
        %add3A_505 = vector.broadcast %mul3A_3 : i32 to vector<16xi32>
        %add3A_506 = arith.addi %add3A_505, %add3A_53 : vector<16xi32>
        %lt3A_507 = arith.constant 20000 : i32
        %lt3A_508 = vector.broadcast %lt3A_507 : i32 to vector<16xi32>
        %lt3A_509 = arith.cmpi slt, %add3A_506, %lt3A_508 : vector<16xi32>
        %jit3A_510 = arith.constant 0.000000e+00 : f32
        %broadcast_in_dim3A_511 = vector.broadcast %jit3A_510 : f32 to vector<16xf32>
        %select_n3A_512 = arith.select %lt3A_509, %select_n3A_504, %broadcast_in_dim3A_511 : vector<16xi1>, vector<16xf32>
        %mul3A_513 = arith.constant 4.096000e+03 : f32
        %mul3A_514 = vector.broadcast %mul3A_513 : f32 to vector<16xf32>
        %mul3A_515 = arith.mulf %select_n3A_499, %mul3A_514 : vector<16xf32>
        %add3A_516 = arith.addf %sub3A, %mul3A_515 : vector<16xf32>
        %add3A_517 = arith.addf %sub3A_117, %mul3A_515 : vector<16xf32>
        %add3A_518 = arith.addf %add3A_121, %mul3A_515 : vector<16xf32>
        %add3A_519 = arith.addf %add3A_125, %mul3A_515 : vector<16xf32>
        %add3A_520 = arith.constant 0 : i32
        %add3A_521 = arith.addi %add3A_520, %mul3A_51 : i32
        %swap3A = arith.index_cast %add3A_521 : i32 to index
        %swap3A_522 = tpu.vector_load %arg5[%swap3A] {strides = array<i32>} : memref<20480xf32, #tpu.memory_space<vmem>>, vector<16xf32>,
        tpu.vector_store %arg5[%swap3A], %select_n3A_512 {strides = array<i32>} : memref<20480xf32, #tpu.memory_space<vmem>>, vector<16xf32>,
        %add3A_523 = vector.broadcast %mul3A_3 : i32 to vector<16xi32>
        %add3A_524 = arith.addi %add3A_523, %add3A_53 : vector<16xi32>
        %convert_element_type3A_525 = arith.sitofp %add3A_524 : vector<16xi32> to vector<16xf32>
        %add3A_526 = arith.constant 1280 : i32
        %add3A_527 = arith.addi %add3A_526, %mul3A_51 : i32
        %swap3A_528 = arith.index_cast %add3A_527 : i32 to index
        %swap3A_529 = tpu.vector_load %arg5[%swap3A_528] {strides = array<i32>} : memref<20480xf32, #tpu.memory_space<vmem>>, vector<16xf32>,
        tpu.vector_store %arg5[%swap3A_528], %convert_element_type3A_525 {strides = array<i32>} : memref<20480xf32, #tpu.memory_space<vmem>>, vector<16xf32>,
        %add3A_530 = arith.constant 2560 : i32
        %add3A_531 = arith.addi %add3A_530, %mul3A_51 : i32
        %swap3A_532 = arith.index_cast %add3A_531 : i32 to index
        %swap3A_533 = tpu.vector_load %arg5[%swap3A_532] {strides = array<i32>} : memref<20480xf32, #tpu.memory_space<vmem>>, vector<16xf32>,
        tpu.vector_store %arg5[%swap3A_532], %add3A_516 {strides = array<i32>} : memref<20480xf32, #tpu.memory_space<vmem>>, vector<16xf32>,
        %add3A_534 = arith.constant 3840 : i32
        %add3A_535 = arith.addi %add3A_534, %mul3A_51 : i32
        %swap3A_536 = arith.index_cast %add3A_535 : i32 to index
        %swap3A_537 = tpu.vector_load %arg5[%swap3A_536] {strides = array<i32>} : memref<20480xf32, #tpu.memory_space<vmem>>, vector<16xf32>,
        tpu.vector_store %arg5[%swap3A_536], %add3A_517 {strides = array<i32>} : memref<20480xf32, #tpu.memory_space<vmem>>, vector<16xf32>,
        %add3A_538 = arith.constant 5120 : i32
        %add3A_539 = arith.addi %add3A_538, %mul3A_51 : i32
        %swap3A_540 = arith.index_cast %add3A_539 : i32 to index
        %swap3A_541 = tpu.vector_load %arg5[%swap3A_540] {strides = array<i32>} : memref<20480xf32, #tpu.memory_space<vmem>>, vector<16xf32>,
        tpu.vector_store %arg5[%swap3A_540], %add3A_518 {strides = array<i32>} : memref<20480xf32, #tpu.memory_space<vmem>>, vector<16xf32>,
        %add3A_542 = arith.constant 6400 : i32
        %add3A_543 = arith.addi %add3A_542, %mul3A_51 : i32
        %swap3A_544 = arith.index_cast %add3A_543 : i32 to index
        %swap3A_545 = tpu.vector_load %arg5[%swap3A_544] {strides = array<i32>} : memref<20480xf32, #tpu.memory_space<vmem>>, vector<16xf32>,
        tpu.vector_store %arg5[%swap3A_544], %add3A_519 {strides = array<i32>} : memref<20480xf32, #tpu.memory_space<vmem>>, vector<16xf32>,
        %sub3A_546 = arith.subf %add3A_518, %add3A_516 : vector<16xf32>
        %sub3A_547 = arith.subf %add3A_519, %add3A_517 : vector<16xf32>
        %mul3A_548 = arith.mulf %sub3A_546, %sub3A_547 : vector<16xf32>
        %add3A_549 = arith.constant 7680 : i32
        %add3A_550 = arith.addi %add3A_549, %mul3A_51 : i32
        %swap3A_551 = arith.index_cast %add3A_550 : i32 to index
        %swap3A_552 = tpu.vector_load %arg5[%swap3A_551] {strides = array<i32>} : memref<20480xf32, #tpu.memory_space<vmem>>, vector<16xf32>,
        tpu.vector_store %arg5[%swap3A_551], %mul3A_548 {strides = array<i32>} : memref<20480xf32, #tpu.memory_space<vmem>>, vector<16xf32>,
        %add3A_553 = arith.constant 8960 : i32
        %add3A_554 = arith.addi %add3A_553, %mul3A_51 : i32
        %swap3A_555 = arith.index_cast %add3A_554 : i32 to index
        %swap3A_556 = tpu.vector_load %arg5[%swap3A_555] {strides = array<i32>} : memref<20480xf32, #tpu.memory_space<vmem>>, vector<16xf32>,
        tpu.vector_store %arg5[%swap3A_555], %sub3A {strides = array<i32>} : memref<20480xf32, #tpu.memory_space<vmem>>, vector<16xf32>,
        %add3A_557 = arith.constant 10240 : i32
        %add3A_558 = arith.addi %add3A_557, %mul3A_51 : i32
        %swap3A_559 = arith.index_cast %add3A_558 : i32 to index
        %swap3A_560 = tpu.vector_load %arg5[%swap3A_559] {strides = array<i32>} : memref<20480xf32, #tpu.memory_space<vmem>>, vector<16xf32>,
        tpu.vector_store %arg5[%swap3A_559], %sub3A_117 {strides = array<i32>} : memref<20480xf32, #tpu.memory_space<vmem>>, vector<16xf32>,
        %add3A_561 = arith.constant 11520 : i32
        %add3A_562 = arith.addi %add3A_561, %mul3A_51 : i32
        %swap3A_563 = arith.index_cast %add3A_562 : i32 to index
        %swap3A_564 = tpu.vector_load %arg5[%swap3A_563] {strides = array<i32>} : memref<20480xf32, #tpu.memory_space<vmem>>, vector<16xf32>,
        tpu.vector_store %arg5[%swap3A_563], %add3A_121 {strides = array<i32>} : memref<20480xf32, #tpu.memory_space<vmem>>, vector<16xf32>,
        %add3A_565 = arith.constant 12800 : i32
        %add3A_566 = arith.addi %add3A_565, %mul3A_51 : i32
        %swap3A_567 = arith.index_cast %add3A_566 : i32 to index
        %swap3A_568 = tpu.vector_load %arg5[%swap3A_567] {strides = array<i32>} : memref<20480xf32, #tpu.memory_space<vmem>>, vector<16xf32>,
        tpu.vector_store %arg5[%swap3A_567], %add3A_125 {strides = array<i32>} : memref<20480xf32, #tpu.memory_space<vmem>>, vector<16xf32>,
      }
      %scan3A_16 = arith.constant 80 : i32
      %broadcast_in_dim3A = arith.constant -1.000000e+00 : f32
      %broadcast_in_dim3A_17 = vector.broadcast %broadcast_in_dim3A : f32 to vector<16xf32>
      %broadcast_in_dim3A_18 = arith.constant 0.000000e+00 : f32
      %broadcast_in_dim3A_19 = vector.broadcast %broadcast_in_dim3A_18 : f32 to vector<16xf32>
      %scan3A_20 = arith.constant 0 : i32
      %scan3A_21 = arith.constant 80 : i32
      %scan3A_22 = arith.addi %scan3A_20, %scan3A_21 : i32
      %scan3A_23 = arith.constant 4 : i32
      %scan3A_24:2 = scf.for %scan3A_46 = %scan3A_20 to %scan3A_22 step %scan3A_23 iter_args(%scan3A_47 = %broadcast_in_dim3A_17, %scan3A_48 = %broadcast_in_dim3A_19) -> (vector<16xf32>, vector<16xf32>)  : i32 {
        %mul3A_49 = arith.constant 16 : i32
        %mul3A_50 = arith.muli %scan3A_46, %mul3A_49 : i32
        %get3A = arith.index_cast %mul3A_50 : i32 to index
        %get3A_51 = tpu.vector_load %arg5[%get3A] {strides = array<i32>} : memref<20480xf32, #tpu.memory_space<vmem>>, vector<16xf32>,
        %add3A = arith.constant 1280 : i32
        %add3A_52 = arith.addi %add3A, %mul3A_50 : i32
        %get3A_53 = arith.index_cast %add3A_52 : i32 to index
        %get3A_54 = tpu.vector_load %arg5[%get3A_53] {strides = array<i32>} : memref<20480xf32, #tpu.memory_space<vmem>>, vector<16xf32>,
        %gt3A = arith.cmpf ogt, %get3A_51, %scan3A_47 : vector<16xf32>
        %select_n3A_55 = arith.select %gt3A, %get3A_51, %scan3A_47 : vector<16xi1>, vector<16xf32>
        %select_n3A_56 = arith.select %gt3A, %get3A_54, %scan3A_48 : vector<16xi1>, vector<16xf32>
        %scan3A_57 = arith.constant 1 : i32
        %scan3A_58 = arith.addi %scan3A_46, %scan3A_57 : i32
        %mul3A_59 = arith.constant 16 : i32
        %mul3A_60 = arith.muli %scan3A_58, %mul3A_59 : i32
        %get3A_61 = arith.index_cast %mul3A_60 : i32 to index
        %get3A_62 = tpu.vector_load %arg5[%get3A_61] {strides = array<i32>} : memref<20480xf32, #tpu.memory_space<vmem>>, vector<16xf32>,
        %add3A_63 = arith.constant 1280 : i32
        %add3A_64 = arith.addi %add3A_63, %mul3A_60 : i32
        %get3A_65 = arith.index_cast %add3A_64 : i32 to index
        %get3A_66 = tpu.vector_load %arg5[%get3A_65] {strides = array<i32>} : memref<20480xf32, #tpu.memory_space<vmem>>, vector<16xf32>,
        %gt3A_67 = arith.cmpf ogt, %get3A_62, %select_n3A_55 : vector<16xf32>
        %select_n3A_68 = arith.select %gt3A_67, %get3A_62, %select_n3A_55 : vector<16xi1>, vector<16xf32>
        %select_n3A_69 = arith.select %gt3A_67, %get3A_66, %select_n3A_56 : vector<16xi1>, vector<16xf32>
        %scan3A_70 = arith.constant 2 : i32
        %scan3A_71 = arith.addi %scan3A_46, %scan3A_70 : i32
        %mul3A_72 = arith.constant 16 : i32
        %mul3A_73 = arith.muli %scan3A_71, %mul3A_72 : i32
        %get3A_74 = arith.index_cast %mul3A_73 : i32 to index
        %get3A_75 = tpu.vector_load %arg5[%get3A_74] {strides = array<i32>} : memref<20480xf32, #tpu.memory_space<vmem>>, vector<16xf32>,
        %add3A_76 = arith.constant 1280 : i32
        %add3A_77 = arith.addi %add3A_76, %mul3A_73 : i32
        %get3A_78 = arith.index_cast %add3A_77 : i32 to index
        %get3A_79 = tpu.vector_load %arg5[%get3A_78] {strides = array<i32>} : memref<20480xf32, #tpu.memory_space<vmem>>, vector<16xf32>,
        %gt3A_80 = arith.cmpf ogt, %get3A_75, %select_n3A_68 : vector<16xf32>
        %select_n3A_81 = arith.select %gt3A_80, %get3A_75, %select_n3A_68 : vector<16xi1>, vector<16xf32>
        %select_n3A_82 = arith.select %gt3A_80, %get3A_79, %select_n3A_69 : vector<16xi1>, vector<16xf32>
        %scan3A_83 = arith.constant 3 : i32
        %scan3A_84 = arith.addi %scan3A_46, %scan3A_83 : i32
        %mul3A_85 = arith.constant 16 : i32
        %mul3A_86 = arith.muli %scan3A_84, %mul3A_85 : i32
        %get3A_87 = arith.index_cast %mul3A_86 : i32 to index
        %get3A_88 = tpu.vector_load %arg5[%get3A_87] {strides = array<i32>} : memref<20480xf32, #tpu.memory_space<vmem>>, vector<16xf32>,
        %add3A_89 = arith.constant 1280 : i32
        %add3A_90 = arith.addi %add3A_89, %mul3A_86 : i32
        %get3A_91 = arith.index_cast %add3A_90 : i32 to index
        %get3A_92 = tpu.vector_load %arg5[%get3A_91] {strides = array<i32>} : memref<20480xf32, #tpu.memory_space<vmem>>, vector<16xf32>,
        %gt3A_93 = arith.cmpf ogt, %get3A_88, %select_n3A_81 : vector<16xf32>
        %select_n3A_94 = arith.select %gt3A_93, %get3A_88, %select_n3A_81 : vector<16xi1>, vector<16xf32>
        %select_n3A_95 = arith.select %gt3A_93, %get3A_92, %select_n3A_82 : vector<16xi1>, vector<16xf32>
        scf.yield %select_n3A_94, %select_n3A_95 : vector<16xf32>, vector<16xf32>
      }
      %scan3A_25 = arith.constant 80 : i32
      %reduce_max3A = arith.constant true
      %reduce_max3A_26 = vector.broadcast %reduce_max3A : i1 to vector<16xi1>
      %reduce_max3A_27 = tpu.scan <max>, %scan3A_24#0 masked %reduce_max3A_26 : vector<16xf32>, vector<16xi1> -> vector<16xf32>
      %reduce_max3A_28 = vector.extract %reduce_max3A_27[15] : f32 from vector<16xf32>
      %eq3A_29 = vector.broadcast %reduce_max3A_28 : f32 to vector<16xf32>
      %eq3A_30 = arith.cmpf oeq, %scan3A_24#0, %eq3A_29 : vector<16xf32>
      %jit3A = arith.constant 3.000000e+38 : f32
      %broadcast_in_dim3A_31 = vector.broadcast %jit3A : f32 to vector<16xf32>
      %select_n3A = arith.select %eq3A_30, %scan3A_24#1, %broadcast_in_dim3A_31 : vector<16xi1>, vector<16xf32>
      %reduce_min3A = arith.constant true
      %reduce_min3A_32 = vector.broadcast %reduce_min3A : i1 to vector<16xi1>
      %reduce_min3A_33 = tpu.scan <min>, %select_n3A masked %reduce_min3A_32 : vector<16xf32>, vector<16xi1> -> vector<16xf32>
      %reduce_min3A_34 = vector.extract %reduce_min3A_33[15] : f32 from vector<16xf32>
      %scan3A_35 = arith.constant 0 : i32
      %scan3A_36 = arith.constant 100 : i32
      %scan3A_37 = arith.addi %scan3A_35, %scan3A_36 : i32
      %scan3A_38 = arith.constant 1 : i32
      %scan3A_39:2 = scf.for %scan3A_46 = %scan3A_35 to %scan3A_37 step %scan3A_38 iter_args(%scan3A_47 = %reduce_max3A_28, %scan3A_48 = %reduce_min3A_34) -> (f32, f32)  : i32 {
        %convert_element_type3A_49 = arith.fptosi %scan3A_48 : f32 to i32
        %sub3A = arith.subi %convert_element_type3A_49, %mul3A_3 : i32
        %mul3A_50 = arith.constant 1280 : i32
        %mul3A_51 = vector.broadcast %mul3A_50 : i32 to vector<16xi32>
        %mul3A_52 = arith.muli %iota3A, %mul3A_51 : vector<16xi32>
        %add3A = vector.broadcast %sub3A : i32 to vector<16xi32>
        %add3A_53 = arith.addi %mul3A_52, %add3A : vector<16xi32>
        %gather3A = tpu.vector_load_idx %arg5[%add3A_53] : memref<20480xf32, #tpu.memory_space<vmem>>[vector<16xi32>], vector<16xf32>,
        %swap3A = arith.constant 0 : index
        %swap3A_54 = tpu.vector_load %arg6[%swap3A] {strides = array<i32>} : memref<16xf32, #tpu.memory_space<vmem>>, vector<16xf32>,
        tpu.vector_store %arg6[%swap3A], %gather3A {strides = array<i32>} : memref<16xf32, #tpu.memory_space<vmem>>, vector<16xf32>,
        %and3A = arith.constant 1 : i32
        %and3A_55 = arith.andi %scan3A_46, %and3A : i32
        %mul3A_56 = arith.constant 256 : i32
        %mul3A_57 = arith.muli %and3A_55, %mul3A_56 : i32
        %mul3A_58 = arith.constant 16 : i32
        %mul3A_59 = arith.muli %arg1, %mul3A_58 : i32
        %add3A_60 = arith.addi %mul3A_57, %mul3A_59 : i32
        "tpu.region"() ({
          %run_scoped3A = tpu.sem_alloc : memref<!tpu.dma_semaphore, #tpu.memory_space<semaphore_mem>>
          %dma_start3A = tpu.memref_slice %arg9[%add3A_60] : memref<512xf32, #tpu.memory_space<vmem_shared>> -> memref<16xf32, #tpu.memory_space<vmem_shared>>
          %dma_start3A_153 = tpu.memref_slice %arg9[%add3A_60] : memref<512xf32, #tpu.memory_space<vmem_shared>> -> memref<16xf32, #tpu.memory_space<vmem_shared>>
          tpu.enqueue_dma source(%arg6 : memref<16xf32, #tpu.memory_space<vmem>>) target(%dma_start3A_153 : memref<16xf32, #tpu.memory_space<vmem_shared>>) target_semaphore(%run_scoped3A : memref<!tpu.dma_semaphore, #tpu.memory_space<semaphore_mem>>)
          %dma_wait3A = tpu.memref_slice %arg9[%add3A_60] : memref<512xf32, #tpu.memory_space<vmem_shared>> -> memref<16xf32, #tpu.memory_space<vmem_shared>>
          %dma_wait3A_154 = tpu.memref_slice %arg9[%add3A_60] : memref<512xf32, #tpu.memory_space<vmem_shared>> -> memref<16xf32, #tpu.memory_space<vmem_shared>>
          tpu.wait_dma2 semaphore(%run_scoped3A : memref<!tpu.dma_semaphore, #tpu.memory_space<semaphore_mem>>) src(%arg6 : memref<16xf32, #tpu.memory_space<vmem>>) dst(%dma_wait3A_154 : memref<16xf32, #tpu.memory_space<vmem_shared>>)
          tpu.yield
        }) : () -> ()
        %barrier3A = arith.constant 0 : index
        tpu.barrier barrier_id(%barrier3A)
        "tpu.region"() ({
          %run_scoped3A = tpu.sem_alloc : memref<!tpu.dma_semaphore, #tpu.memory_space<semaphore_mem>>
          %dma_start3A = tpu.memref_slice %arg9[%mul3A_57] : memref<512xf32, #tpu.memory_space<vmem_shared>> -> memref<256xf32, #tpu.memory_space<vmem_shared>>
          %dma_start3A_153 = tpu.memref_slice %arg9[%mul3A_57] : memref<512xf32, #tpu.memory_space<vmem_shared>> -> memref<256xf32, #tpu.memory_space<vmem_shared>>
          tpu.enqueue_dma source(%dma_start3A_153 : memref<256xf32, #tpu.memory_space<vmem_shared>>) target(%arg7 : memref<256xf32, #tpu.memory_space<vmem>>) target_semaphore(%run_scoped3A : memref<!tpu.dma_semaphore, #tpu.memory_space<semaphore_mem>>)
          %dma_wait3A = tpu.memref_slice %arg9[%mul3A_57] : memref<512xf32, #tpu.memory_space<vmem_shared>> -> memref<256xf32, #tpu.memory_space<vmem_shared>>
          %dma_wait3A_154 = tpu.memref_slice %arg9[%mul3A_57] : memref<512xf32, #tpu.memory_space<vmem_shared>> -> memref<256xf32, #tpu.memory_space<vmem_shared>>
          tpu.wait_dma2 semaphore(%run_scoped3A : memref<!tpu.dma_semaphore, #tpu.memory_space<semaphore_mem>>) src(%dma_wait3A_154 : memref<256xf32, #tpu.memory_space<vmem_shared>>) dst(%arg7 : memref<256xf32, #tpu.memory_space<vmem>>)
          tpu.yield
        }) : () -> ()
        %mul3A_61 = arith.constant 16 : i32
        %mul3A_62 = vector.broadcast %mul3A_61 : i32 to vector<16xi32>
        %mul3A_63 = arith.muli %iota3A, %mul3A_62 : vector<16xi32>
        %gather3A_64 = tpu.vector_load_idx %arg7[%mul3A_63] : memref<256xf32, #tpu.memory_space<vmem>>[vector<16xi32>], vector<16xf32>,
        %mul3A_65 = arith.constant 16 : i32
        %mul3A_66 = vector.broadcast %mul3A_65 : i32 to vector<16xi32>
        %mul3A_67 = arith.muli %iota3A, %mul3A_66 : vector<16xi32>
        %add3A_68 = arith.constant 1 : i32
        %add3A_69 = vector.broadcast %add3A_68 : i32 to vector<16xi32>
        %add3A_70 = arith.addi %mul3A_67, %add3A_69 : vector<16xi32>
        %gather3A_71 = tpu.vector_load_idx %arg7[%add3A_70] : memref<256xf32, #tpu.memory_space<vmem>>[vector<16xi32>], vector<16xf32>,
        %reduce_max3A_72 = arith.constant true
        %reduce_max3A_73 = vector.broadcast %reduce_max3A_72 : i1 to vector<16xi1>
        %reduce_max3A_74 = tpu.scan <max>, %gather3A_64 masked %reduce_max3A_73 : vector<16xf32>, vector<16xi1> -> vector<16xf32>
        %reduce_max3A_75 = vector.extract %reduce_max3A_74[15] : f32 from vector<16xf32>
        %eq3A_76 = vector.broadcast %reduce_max3A_75 : f32 to vector<16xf32>
        %eq3A_77 = arith.cmpf oeq, %gather3A_64, %eq3A_76 : vector<16xf32>
        %jit3A_78 = arith.constant 3.000000e+38 : f32
        %broadcast_in_dim3A_79 = vector.broadcast %jit3A_78 : f32 to vector<16xf32>
        %select_n3A_80 = arith.select %eq3A_77, %gather3A_71, %broadcast_in_dim3A_79 : vector<16xi1>, vector<16xf32>
        %reduce_min3A_81 = arith.constant true
        %reduce_min3A_82 = vector.broadcast %reduce_min3A_81 : i1 to vector<16xi1>
        %reduce_min3A_83 = tpu.scan <min>, %select_n3A_80 masked %reduce_min3A_82 : vector<16xf32>, vector<16xi1> -> vector<16xf32>
        %reduce_min3A_84 = vector.extract %reduce_min3A_83[15] : f32 from vector<16xf32>
        %convert_element_type3A_85 = arith.fptosi %reduce_min3A_84 : f32 to i32
        %jit3A_86 = arith.constant 1280 : i32
        %div3A = arith.divsi %convert_element_type3A_85, %jit3A_86 : i32
        %sign3A = arith.constant 0 : i32
        %sign3A_87 = arith.cmpi sgt, %convert_element_type3A_85, %sign3A : i32
        %sign3A_88 = arith.extui %sign3A_87 : i1 to i32
        %sign3A_89 = arith.constant 0 : i32
        %sign3A_90 = arith.cmpi slt, %convert_element_type3A_85, %sign3A_89 : i32
        %sign3A_91 = arith.extui %sign3A_90 : i1 to i32
        %sign3A_92 = arith.subi %sign3A_88, %sign3A_91 : i32
        %sign3A_93 = arith.constant 0 : i32
        %sign3A_94 = arith.cmpi sgt, %jit3A_86, %sign3A_93 : i32
        %sign3A_95 = arith.extui %sign3A_94 : i1 to i32
        %sign3A_96 = arith.constant 0 : i32
        %sign3A_97 = arith.cmpi slt, %jit3A_86, %sign3A_96 : i32
        %sign3A_98 = arith.extui %sign3A_97 : i1 to i32
        %sign3A_99 = arith.subi %sign3A_95, %sign3A_98 : i32
        %ne3A = arith.cmpi ne, %sign3A_92, %sign3A_99 : i32
        %rem3A = arith.remsi %convert_element_type3A_85, %jit3A_86 : i32
        %ne3A_100 = arith.constant 0 : i32
        %ne3A_101 = arith.cmpi ne, %rem3A, %ne3A_100 : i32
        %and3A_102 = arith.andi %ne3A, %ne3A_101 : i1
        %sub3A_103 = arith.constant 1 : i32
        %sub3A_104 = arith.subi %div3A, %sub3A_103 : i32
        %select_n3A_105 = arith.select %and3A_102, %sub3A_104, %div3A : i32
        %mul3A_106 = arith.constant 16 : i32
        %mul3A_107 = arith.muli %select_n3A_105, %mul3A_106 : i32
        %add3A_108 = arith.constant 2 : i32
        %add3A_109 = arith.addi %mul3A_107, %add3A_108 : i32
        %broadcast_in_dim3A_110 = vector.broadcast %add3A_109 : i32 to vector<16xi32>
        %gather3A_111 = tpu.vector_load_idx %arg7[%broadcast_in_dim3A_110] : memref<256xf32, #tpu.memory_space<vmem>>[vector<16xi32>], vector<16xf32>,
        %add3A_112 = arith.constant 3 : i32
        %add3A_113 = arith.addi %mul3A_107, %add3A_112 : i32
        %broadcast_in_dim3A_114 = vector.broadcast %add3A_113 : i32 to vector<16xi32>
        %gather3A_115 = tpu.vector_load_idx %arg7[%broadcast_in_dim3A_114] : memref<256xf32, #tpu.memory_space<vmem>>[vector<16xi32>], vector<16xf32>,
        %add3A_116 = arith.constant 4 : i32
        %add3A_117 = arith.addi %mul3A_107, %add3A_116 : i32
        %broadcast_in_dim3A_118 = vector.broadcast %add3A_117 : i32 to vector<16xi32>
        %gather3A_119 = tpu.vector_load_idx %arg7[%broadcast_in_dim3A_118] : memref<256xf32, #tpu.memory_space<vmem>>[vector<16xi32>], vector<16xf32>,
        %add3A_120 = arith.constant 5 : i32
        %add3A_121 = arith.addi %mul3A_107, %add3A_120 : i32
        %broadcast_in_dim3A_122 = vector.broadcast %add3A_121 : i32 to vector<16xi32>
        %gather3A_123 = tpu.vector_load_idx %arg7[%broadcast_in_dim3A_122] : memref<256xf32, #tpu.memory_space<vmem>>[vector<16xi32>], vector<16xf32>,
        %add3A_124 = arith.constant 6 : i32
        %add3A_125 = arith.addi %mul3A_107, %add3A_124 : i32
        %broadcast_in_dim3A_126 = vector.broadcast %add3A_125 : i32 to vector<16xi32>
        %gather3A_127 = tpu.vector_load_idx %arg7[%broadcast_in_dim3A_126] : memref<256xf32, #tpu.memory_space<vmem>>[vector<16xi32>], vector<16xf32>,
        %eq3A_128 = arith.constant 0 : i32
        %eq3A_129 = arith.cmpi eq, %arg1, %eq3A_128 : i32
        %convert_element_type3A_130 = arith.extui %eq3A_129 : i1 to i32
        %cond3A_131 = arith.constant 0 : i32
        %cond3A_132 = arith.cmpi ne, %convert_element_type3A_130, %cond3A_131 : i32
        scf.if %cond3A_132 {
          %lt3A_153 = arith.constant 4 : i32
          %lt3A_154 = vector.broadcast %lt3A_153 : i32 to vector<16xi32>
          %lt3A_155 = arith.cmpi slt, %iota3A, %lt3A_154 : vector<16xi32>
          %add3A_156 = arith.constant 7 : i32
          %add3A_157 = vector.broadcast %add3A_156 : i32 to vector<16xi32>
          %add3A_158 = arith.addi %iota3A, %add3A_157 : vector<16xi32>
          %jit3A_159 = arith.constant 0 : i32
          %broadcast_in_dim3A_160 = vector.broadcast %jit3A_159 : i32 to vector<16xi32>
          %select_n3A_161 = arith.select %lt3A_155, %add3A_158, %broadcast_in_dim3A_160 : vector<16xi1>, vector<16xi32>
          %add3A_162 = vector.broadcast %mul3A_107 : i32 to vector<16xi32>
          %add3A_163 = arith.addi %add3A_162, %select_n3A_161 : vector<16xi32>
          %gather3A_164 = tpu.vector_load_idx %arg7[%add3A_163] : memref<256xf32, #tpu.memory_space<vmem>>[vector<16xi32>], vector<16xf32>,
          %broadcast_in_dim3A_165 = vector.broadcast %scan3A_46 : i32 to vector<16xi32>
          tpu.vector_store_idx %arg8[%broadcast_in_dim3A_165, %iota3A], %gather3A_164 : memref<100x16xf32, #tpu.memory_space<vmem>>[vector<16xi32>, vector<16xi32>], vector<16xf32>,
        } else {
        }
        %broadcast_in_dim3A_133 = vector.broadcast %reduce_min3A_84 : f32 to vector<16xf32>
        %scan3A_134 = arith.constant 0 : i32
        %scan3A_135 = arith.constant 80 : i32
        %scan3A_136 = arith.addi %scan3A_134, %scan3A_135 : i32
        %scan3A_137 = arith.constant 4 : i32
        %scan3A_138:2 = scf.for %scan3A_153 = %scan3A_134 to %scan3A_136 step %scan3A_137 iter_args(%scan3A_154 = %broadcast_in_dim3A_17, %scan3A_155 = %broadcast_in_dim3A_19) -> (vector<16xf32>, vector<16xf32>)  : i32 {
          %mul3A_156 = arith.constant 16 : i32
          %mul3A_157 = arith.muli %scan3A_153, %mul3A_156 : i32
          %get3A = arith.index_cast %mul3A_157 : i32 to index
          %get3A_158 = tpu.vector_load %arg5[%get3A] {strides = array<i32>} : memref<20480xf32, #tpu.memory_space<vmem>>, vector<16xf32>,
          %add3A_159 = arith.constant 1280 : i32
          %add3A_160 = arith.addi %add3A_159, %mul3A_157 : i32
          %get3A_161 = arith.index_cast %add3A_160 : i32 to index
          %get3A_162 = tpu.vector_load %arg5[%get3A_161] {strides = array<i32>} : memref<20480xf32, #tpu.memory_space<vmem>>, vector<16xf32>,
          %add3A_163 = arith.constant 2560 : i32
          %add3A_164 = arith.addi %add3A_163, %mul3A_157 : i32
          %get3A_165 = arith.index_cast %add3A_164 : i32 to index
          %get3A_166 = tpu.vector_load %arg5[%get3A_165] {strides = array<i32>} : memref<20480xf32, #tpu.memory_space<vmem>>, vector<16xf32>,
          %add3A_167 = arith.constant 3840 : i32
          %add3A_168 = arith.addi %add3A_167, %mul3A_157 : i32
          %get3A_169 = arith.index_cast %add3A_168 : i32 to index
          %get3A_170 = tpu.vector_load %arg5[%get3A_169] {strides = array<i32>} : memref<20480xf32, #tpu.memory_space<vmem>>, vector<16xf32>,
          %add3A_171 = arith.constant 5120 : i32
          %add3A_172 = arith.addi %add3A_171, %mul3A_157 : i32
          %get3A_173 = arith.index_cast %add3A_172 : i32 to index
          %get3A_174 = tpu.vector_load %arg5[%get3A_173] {strides = array<i32>} : memref<20480xf32, #tpu.memory_space<vmem>>, vector<16xf32>,
          %add3A_175 = arith.constant 6400 : i32
          %add3A_176 = arith.addi %add3A_175, %mul3A_157 : i32
          %get3A_177 = arith.index_cast %add3A_176 : i32 to index
          %get3A_178 = tpu.vector_load %arg5[%get3A_177] {strides = array<i32>} : memref<20480xf32, #tpu.memory_space<vmem>>, vector<16xf32>,
          %add3A_179 = arith.constant 7680 : i32
          %add3A_180 = arith.addi %add3A_179, %mul3A_157 : i32
          %get3A_181 = arith.index_cast %add3A_180 : i32 to index
          %get3A_182 = tpu.vector_load %arg5[%get3A_181] {strides = array<i32>} : memref<20480xf32, #tpu.memory_space<vmem>>, vector<16xf32>,
          %max3A = arith.maximumf %gather3A_111, %get3A_166 : vector<16xf32>
          %max3A_183 = arith.maximumf %gather3A_115, %get3A_170 : vector<16xf32>
          %min3A = arith.minimumf %gather3A_119, %get3A_174 : vector<16xf32>
          %min3A_184 = arith.minimumf %gather3A_123, %get3A_178 : vector<16xf32>
          %sub3A_185 = arith.subf %min3A, %max3A : vector<16xf32>
          %max3A_186 = arith.constant 1.000000e-28 : f32
          %max3A_187 = vector.broadcast %max3A_186 : f32 to vector<16xf32>
          %max3A_188 = arith.maximumf %max3A_187, %sub3A_185 : vector<16xf32>
          %sub3A_189 = arith.subf %min3A_184, %max3A_183 : vector<16xf32>
          %max3A_190 = arith.constant 1.000000e-28 : f32
          %max3A_191 = vector.broadcast %max3A_190 : f32 to vector<16xf32>
          %max3A_192 = arith.maximumf %max3A_191, %sub3A_189 : vector<16xf32>
          %mul3A_193 = arith.mulf %max3A_188, %max3A_192 : vector<16xf32>
          %add3A_194 = arith.addf %gather3A_127, %get3A_182 : vector<16xf32>
          %sub3A_195 = arith.subf %add3A_194, %mul3A_193 : vector<16xf32>
          %add3A_196 = arith.constant 9.99999982E-15 : f32
          %add3A_197 = vector.broadcast %add3A_196 : f32 to vector<16xf32>
          %add3A_198 = arith.addf %sub3A_195, %add3A_197 : vector<16xf32>
          %div3A_199 = arith.divf %mul3A_193, %add3A_198 : vector<16xf32>
          %gt3A = arith.constant 6.000000e-01 : f32
          %gt3A_200 = vector.broadcast %gt3A : f32 to vector<16xf32>
          %gt3A_201 = arith.cmpf ogt, %div3A_199, %gt3A_200 : vector<16xf32>
          %eq3A_202 = arith.cmpf oeq, %get3A_162, %broadcast_in_dim3A_133 : vector<16xf32>
          %or3A = arith.ori %gt3A_201, %eq3A_202 : vector<16xi1>
          %jit3A_203 = arith.constant 0.000000e+00 : f32
          %broadcast_in_dim3A_204 = vector.broadcast %jit3A_203 : f32 to vector<16xf32>
          %select_n3A_205 = arith.select %or3A, %broadcast_in_dim3A_204, %get3A_158 : vector<16xi1>, vector<16xf32>
          %swap3A_206 = arith.index_cast %mul3A_157 : i32 to index
          %swap3A_207 = tpu.vector_load %arg5[%swap3A_206] {strides = array<i32>} : memref<20480xf32, #tpu.memory_space<vmem>>, vector<16xf32>,
          tpu.vector_store %arg5[%swap3A_206], %select_n3A_205 {strides = array<i32>} : memref<20480xf32, #tpu.memory_space<vmem>>, vector<16xf32>,
          %gt3A_208 = arith.cmpf ogt, %select_n3A_205, %scan3A_154 : vector<16xf32>
          %select_n3A_209 = arith.select %gt3A_208, %select_n3A_205, %scan3A_154 : vector<16xi1>, vector<16xf32>
          %select_n3A_210 = arith.select %gt3A_208, %get3A_162, %scan3A_155 : vector<16xi1>, vector<16xf32>
          %scan3A_211 = arith.constant 1 : i32
          %scan3A_212 = arith.addi %scan3A_153, %scan3A_211 : i32
          %mul3A_213 = arith.constant 16 : i32
          %mul3A_214 = arith.muli %scan3A_212, %mul3A_213 : i32
          %get3A_215 = arith.index_cast %mul3A_214 : i32 to index
          %get3A_216 = tpu.vector_load %arg5[%get3A_215] {strides = array<i32>} : memref<20480xf32, #tpu.memory_space<vmem>>, vector<16xf32>,
          %add3A_217 = arith.constant 1280 : i32
          %add3A_218 = arith.addi %add3A_217, %mul3A_214 : i32
          %get3A_219 = arith.index_cast %add3A_218 : i32 to index
          %get3A_220 = tpu.vector_load %arg5[%get3A_219] {strides = array<i32>} : memref<20480xf32, #tpu.memory_space<vmem>>, vector<16xf32>,
          %add3A_221 = arith.constant 2560 : i32
          %add3A_222 = arith.addi %add3A_221, %mul3A_214 : i32
          %get3A_223 = arith.index_cast %add3A_222 : i32 to index
          %get3A_224 = tpu.vector_load %arg5[%get3A_223] {strides = array<i32>} : memref<20480xf32, #tpu.memory_space<vmem>>, vector<16xf32>,
          %add3A_225 = arith.constant 3840 : i32
          %add3A_226 = arith.addi %add3A_225, %mul3A_214 : i32
          %get3A_227 = arith.index_cast %add3A_226 : i32 to index
          %get3A_228 = tpu.vector_load %arg5[%get3A_227] {strides = array<i32>} : memref<20480xf32, #tpu.memory_space<vmem>>, vector<16xf32>,
          %add3A_229 = arith.constant 5120 : i32
          %add3A_230 = arith.addi %add3A_229, %mul3A_214 : i32
          %get3A_231 = arith.index_cast %add3A_230 : i32 to index
          %get3A_232 = tpu.vector_load %arg5[%get3A_231] {strides = array<i32>} : memref<20480xf32, #tpu.memory_space<vmem>>, vector<16xf32>,
          %add3A_233 = arith.constant 6400 : i32
          %add3A_234 = arith.addi %add3A_233, %mul3A_214 : i32
          %get3A_235 = arith.index_cast %add3A_234 : i32 to index
          %get3A_236 = tpu.vector_load %arg5[%get3A_235] {strides = array<i32>} : memref<20480xf32, #tpu.memory_space<vmem>>, vector<16xf32>,
          %add3A_237 = arith.constant 7680 : i32
          %add3A_238 = arith.addi %add3A_237, %mul3A_214 : i32
          %get3A_239 = arith.index_cast %add3A_238 : i32 to index
          %get3A_240 = tpu.vector_load %arg5[%get3A_239] {strides = array<i32>} : memref<20480xf32, #tpu.memory_space<vmem>>, vector<16xf32>,
          %max3A_241 = arith.maximumf %gather3A_111, %get3A_224 : vector<16xf32>
          %max3A_242 = arith.maximumf %gather3A_115, %get3A_228 : vector<16xf32>
          %min3A_243 = arith.minimumf %gather3A_119, %get3A_232 : vector<16xf32>
          %min3A_244 = arith.minimumf %gather3A_123, %get3A_236 : vector<16xf32>
          %sub3A_245 = arith.subf %min3A_243, %max3A_241 : vector<16xf32>
          %max3A_246 = arith.constant 1.000000e-28 : f32
          %max3A_247 = vector.broadcast %max3A_246 : f32 to vector<16xf32>
          %max3A_248 = arith.maximumf %max3A_247, %sub3A_245 : vector<16xf32>
          %sub3A_249 = arith.subf %min3A_244, %max3A_242 : vector<16xf32>
          %max3A_250 = arith.constant 1.000000e-28 : f32
          %max3A_251 = vector.broadcast %max3A_250 : f32 to vector<16xf32>
          %max3A_252 = arith.maximumf %max3A_251, %sub3A_249 : vector<16xf32>
          %mul3A_253 = arith.mulf %max3A_248, %max3A_252 : vector<16xf32>
          %add3A_254 = arith.addf %gather3A_127, %get3A_240 : vector<16xf32>
          %sub3A_255 = arith.subf %add3A_254, %mul3A_253 : vector<16xf32>
          %add3A_256 = arith.constant 9.99999982E-15 : f32
          %add3A_257 = vector.broadcast %add3A_256 : f32 to vector<16xf32>
          %add3A_258 = arith.addf %sub3A_255, %add3A_257 : vector<16xf32>
          %div3A_259 = arith.divf %mul3A_253, %add3A_258 : vector<16xf32>
          %gt3A_260 = arith.constant 6.000000e-01 : f32
          %gt3A_261 = vector.broadcast %gt3A_260 : f32 to vector<16xf32>
          %gt3A_262 = arith.cmpf ogt, %div3A_259, %gt3A_261 : vector<16xf32>
          %eq3A_263 = arith.cmpf oeq, %get3A_220, %broadcast_in_dim3A_133 : vector<16xf32>
          %or3A_264 = arith.ori %gt3A_262, %eq3A_263 : vector<16xi1>
          %jit3A_265 = arith.constant 0.000000e+00 : f32
          %broadcast_in_dim3A_266 = vector.broadcast %jit3A_265 : f32 to vector<16xf32>
          %select_n3A_267 = arith.select %or3A_264, %broadcast_in_dim3A_266, %get3A_216 : vector<16xi1>, vector<16xf32>
          %swap3A_268 = arith.index_cast %mul3A_214 : i32 to index
          %swap3A_269 = tpu.vector_load %arg5[%swap3A_268] {strides = array<i32>} : memref<20480xf32, #tpu.memory_space<vmem>>, vector<16xf32>,
          tpu.vector_store %arg5[%swap3A_268], %select_n3A_267 {strides = array<i32>} : memref<20480xf32, #tpu.memory_space<vmem>>, vector<16xf32>,
          %gt3A_270 = arith.cmpf ogt, %select_n3A_267, %select_n3A_209 : vector<16xf32>
          %select_n3A_271 = arith.select %gt3A_270, %select_n3A_267, %select_n3A_209 : vector<16xi1>, vector<16xf32>
          %select_n3A_272 = arith.select %gt3A_270, %get3A_220, %select_n3A_210 : vector<16xi1>, vector<16xf32>
          %scan3A_273 = arith.constant 2 : i32
          %scan3A_274 = arith.addi %scan3A_153, %scan3A_273 : i32
          %mul3A_275 = arith.constant 16 : i32
          %mul3A_276 = arith.muli %scan3A_274, %mul3A_275 : i32
          %get3A_277 = arith.index_cast %mul3A_276 : i32 to index
          %get3A_278 = tpu.vector_load %arg5[%get3A_277] {strides = array<i32>} : memref<20480xf32, #tpu.memory_space<vmem>>, vector<16xf32>,
          %add3A_279 = arith.constant 1280 : i32
          %add3A_280 = arith.addi %add3A_279, %mul3A_276 : i32
          %get3A_281 = arith.index_cast %add3A_280 : i32 to index
          %get3A_282 = tpu.vector_load %arg5[%get3A_281] {strides = array<i32>} : memref<20480xf32, #tpu.memory_space<vmem>>, vector<16xf32>,
          %add3A_283 = arith.constant 2560 : i32
          %add3A_284 = arith.addi %add3A_283, %mul3A_276 : i32
          %get3A_285 = arith.index_cast %add3A_284 : i32 to index
          %get3A_286 = tpu.vector_load %arg5[%get3A_285] {strides = array<i32>} : memref<20480xf32, #tpu.memory_space<vmem>>, vector<16xf32>,
          %add3A_287 = arith.constant 3840 : i32
          %add3A_288 = arith.addi %add3A_287, %mul3A_276 : i32
          %get3A_289 = arith.index_cast %add3A_288 : i32 to index
          %get3A_290 = tpu.vector_load %arg5[%get3A_289] {strides = array<i32>} : memref<20480xf32, #tpu.memory_space<vmem>>, vector<16xf32>,
          %add3A_291 = arith.constant 5120 : i32
          %add3A_292 = arith.addi %add3A_291, %mul3A_276 : i32
          %get3A_293 = arith.index_cast %add3A_292 : i32 to index
          %get3A_294 = tpu.vector_load %arg5[%get3A_293] {strides = array<i32>} : memref<20480xf32, #tpu.memory_space<vmem>>, vector<16xf32>,
          %add3A_295 = arith.constant 6400 : i32
          %add3A_296 = arith.addi %add3A_295, %mul3A_276 : i32
          %get3A_297 = arith.index_cast %add3A_296 : i32 to index
          %get3A_298 = tpu.vector_load %arg5[%get3A_297] {strides = array<i32>} : memref<20480xf32, #tpu.memory_space<vmem>>, vector<16xf32>,
          %add3A_299 = arith.constant 7680 : i32
          %add3A_300 = arith.addi %add3A_299, %mul3A_276 : i32
          %get3A_301 = arith.index_cast %add3A_300 : i32 to index
          %get3A_302 = tpu.vector_load %arg5[%get3A_301] {strides = array<i32>} : memref<20480xf32, #tpu.memory_space<vmem>>, vector<16xf32>,
          %max3A_303 = arith.maximumf %gather3A_111, %get3A_286 : vector<16xf32>
          %max3A_304 = arith.maximumf %gather3A_115, %get3A_290 : vector<16xf32>
          %min3A_305 = arith.minimumf %gather3A_119, %get3A_294 : vector<16xf32>
          %min3A_306 = arith.minimumf %gather3A_123, %get3A_298 : vector<16xf32>
          %sub3A_307 = arith.subf %min3A_305, %max3A_303 : vector<16xf32>
          %max3A_308 = arith.constant 1.000000e-28 : f32
          %max3A_309 = vector.broadcast %max3A_308 : f32 to vector<16xf32>
          %max3A_310 = arith.maximumf %max3A_309, %sub3A_307 : vector<16xf32>
          %sub3A_311 = arith.subf %min3A_306, %max3A_304 : vector<16xf32>
          %max3A_312 = arith.constant 1.000000e-28 : f32
          %max3A_313 = vector.broadcast %max3A_312 : f32 to vector<16xf32>
          %max3A_314 = arith.maximumf %max3A_313, %sub3A_311 : vector<16xf32>
          %mul3A_315 = arith.mulf %max3A_310, %max3A_314 : vector<16xf32>
          %add3A_316 = arith.addf %gather3A_127, %get3A_302 : vector<16xf32>
          %sub3A_317 = arith.subf %add3A_316, %mul3A_315 : vector<16xf32>
          %add3A_318 = arith.constant 9.99999982E-15 : f32
          %add3A_319 = vector.broadcast %add3A_318 : f32 to vector<16xf32>
          %add3A_320 = arith.addf %sub3A_317, %add3A_319 : vector<16xf32>
          %div3A_321 = arith.divf %mul3A_315, %add3A_320 : vector<16xf32>
          %gt3A_322 = arith.constant 6.000000e-01 : f32
          %gt3A_323 = vector.broadcast %gt3A_322 : f32 to vector<16xf32>
          %gt3A_324 = arith.cmpf ogt, %div3A_321, %gt3A_323 : vector<16xf32>
          %eq3A_325 = arith.cmpf oeq, %get3A_282, %broadcast_in_dim3A_133 : vector<16xf32>
          %or3A_326 = arith.ori %gt3A_324, %eq3A_325 : vector<16xi1>
          %jit3A_327 = arith.constant 0.000000e+00 : f32
          %broadcast_in_dim3A_328 = vector.broadcast %jit3A_327 : f32 to vector<16xf32>
          %select_n3A_329 = arith.select %or3A_326, %broadcast_in_dim3A_328, %get3A_278 : vector<16xi1>, vector<16xf32>
          %swap3A_330 = arith.index_cast %mul3A_276 : i32 to index
          %swap3A_331 = tpu.vector_load %arg5[%swap3A_330] {strides = array<i32>} : memref<20480xf32, #tpu.memory_space<vmem>>, vector<16xf32>,
          tpu.vector_store %arg5[%swap3A_330], %select_n3A_329 {strides = array<i32>} : memref<20480xf32, #tpu.memory_space<vmem>>, vector<16xf32>,
          %gt3A_332 = arith.cmpf ogt, %select_n3A_329, %select_n3A_271 : vector<16xf32>
          %select_n3A_333 = arith.select %gt3A_332, %select_n3A_329, %select_n3A_271 : vector<16xi1>, vector<16xf32>
          %select_n3A_334 = arith.select %gt3A_332, %get3A_282, %select_n3A_272 : vector<16xi1>, vector<16xf32>
          %scan3A_335 = arith.constant 3 : i32
          %scan3A_336 = arith.addi %scan3A_153, %scan3A_335 : i32
          %mul3A_337 = arith.constant 16 : i32
          %mul3A_338 = arith.muli %scan3A_336, %mul3A_337 : i32
          %get3A_339 = arith.index_cast %mul3A_338 : i32 to index
          %get3A_340 = tpu.vector_load %arg5[%get3A_339] {strides = array<i32>} : memref<20480xf32, #tpu.memory_space<vmem>>, vector<16xf32>,
          %add3A_341 = arith.constant 1280 : i32
          %add3A_342 = arith.addi %add3A_341, %mul3A_338 : i32
          %get3A_343 = arith.index_cast %add3A_342 : i32 to index
          %get3A_344 = tpu.vector_load %arg5[%get3A_343] {strides = array<i32>} : memref<20480xf32, #tpu.memory_space<vmem>>, vector<16xf32>,
          %add3A_345 = arith.constant 2560 : i32
          %add3A_346 = arith.addi %add3A_345, %mul3A_338 : i32
          %get3A_347 = arith.index_cast %add3A_346 : i32 to index
          %get3A_348 = tpu.vector_load %arg5[%get3A_347] {strides = array<i32>} : memref<20480xf32, #tpu.memory_space<vmem>>, vector<16xf32>,
          %add3A_349 = arith.constant 3840 : i32
          %add3A_350 = arith.addi %add3A_349, %mul3A_338 : i32
          %get3A_351 = arith.index_cast %add3A_350 : i32 to index
          %get3A_352 = tpu.vector_load %arg5[%get3A_351] {strides = array<i32>} : memref<20480xf32, #tpu.memory_space<vmem>>, vector<16xf32>,
          %add3A_353 = arith.constant 5120 : i32
          %add3A_354 = arith.addi %add3A_353, %mul3A_338 : i32
          %get3A_355 = arith.index_cast %add3A_354 : i32 to index
          %get3A_356 = tpu.vector_load %arg5[%get3A_355] {strides = array<i32>} : memref<20480xf32, #tpu.memory_space<vmem>>, vector<16xf32>,
          %add3A_357 = arith.constant 6400 : i32
          %add3A_358 = arith.addi %add3A_357, %mul3A_338 : i32
          %get3A_359 = arith.index_cast %add3A_358 : i32 to index
          %get3A_360 = tpu.vector_load %arg5[%get3A_359] {strides = array<i32>} : memref<20480xf32, #tpu.memory_space<vmem>>, vector<16xf32>,
          %add3A_361 = arith.constant 7680 : i32
          %add3A_362 = arith.addi %add3A_361, %mul3A_338 : i32
          %get3A_363 = arith.index_cast %add3A_362 : i32 to index
          %get3A_364 = tpu.vector_load %arg5[%get3A_363] {strides = array<i32>} : memref<20480xf32, #tpu.memory_space<vmem>>, vector<16xf32>,
          %max3A_365 = arith.maximumf %gather3A_111, %get3A_348 : vector<16xf32>
          %max3A_366 = arith.maximumf %gather3A_115, %get3A_352 : vector<16xf32>
          %min3A_367 = arith.minimumf %gather3A_119, %get3A_356 : vector<16xf32>
          %min3A_368 = arith.minimumf %gather3A_123, %get3A_360 : vector<16xf32>
          %sub3A_369 = arith.subf %min3A_367, %max3A_365 : vector<16xf32>
          %max3A_370 = arith.constant 1.000000e-28 : f32
          %max3A_371 = vector.broadcast %max3A_370 : f32 to vector<16xf32>
          %max3A_372 = arith.maximumf %max3A_371, %sub3A_369 : vector<16xf32>
          %sub3A_373 = arith.subf %min3A_368, %max3A_366 : vector<16xf32>
          %max3A_374 = arith.constant 1.000000e-28 : f32
          %max3A_375 = vector.broadcast %max3A_374 : f32 to vector<16xf32>
          %max3A_376 = arith.maximumf %max3A_375, %sub3A_373 : vector<16xf32>
          %mul3A_377 = arith.mulf %max3A_372, %max3A_376 : vector<16xf32>
          %add3A_378 = arith.addf %gather3A_127, %get3A_364 : vector<16xf32>
          %sub3A_379 = arith.subf %add3A_378, %mul3A_377 : vector<16xf32>
          %add3A_380 = arith.constant 9.99999982E-15 : f32
          %add3A_381 = vector.broadcast %add3A_380 : f32 to vector<16xf32>
          %add3A_382 = arith.addf %sub3A_379, %add3A_381 : vector<16xf32>
          %div3A_383 = arith.divf %mul3A_377, %add3A_382 : vector<16xf32>
          %gt3A_384 = arith.constant 6.000000e-01 : f32
          %gt3A_385 = vector.broadcast %gt3A_384 : f32 to vector<16xf32>
          %gt3A_386 = arith.cmpf ogt, %div3A_383, %gt3A_385 : vector<16xf32>
          %eq3A_387 = arith.cmpf oeq, %get3A_344, %broadcast_in_dim3A_133 : vector<16xf32>
          %or3A_388 = arith.ori %gt3A_386, %eq3A_387 : vector<16xi1>
          %jit3A_389 = arith.constant 0.000000e+00 : f32
          %broadcast_in_dim3A_390 = vector.broadcast %jit3A_389 : f32 to vector<16xf32>
          %select_n3A_391 = arith.select %or3A_388, %broadcast_in_dim3A_390, %get3A_340 : vector<16xi1>, vector<16xf32>
          %swap3A_392 = arith.index_cast %mul3A_338 : i32 to index
          %swap3A_393 = tpu.vector_load %arg5[%swap3A_392] {strides = array<i32>} : memref<20480xf32, #tpu.memory_space<vmem>>, vector<16xf32>,
          tpu.vector_store %arg5[%swap3A_392], %select_n3A_391 {strides = array<i32>} : memref<20480xf32, #tpu.memory_space<vmem>>, vector<16xf32>,
          %gt3A_394 = arith.cmpf ogt, %select_n3A_391, %select_n3A_333 : vector<16xf32>
          %select_n3A_395 = arith.select %gt3A_394, %select_n3A_391, %select_n3A_333 : vector<16xi1>, vector<16xf32>
          %select_n3A_396 = arith.select %gt3A_394, %get3A_344, %select_n3A_334 : vector<16xi1>, vector<16xf32>
          scf.yield %select_n3A_395, %select_n3A_396 : vector<16xf32>, vector<16xf32>
        }
        %scan3A_139 = arith.constant 80 : i32
        %reduce_max3A_140 = arith.constant true
        %reduce_max3A_141 = vector.broadcast %reduce_max3A_140 : i1 to vector<16xi1>
        %reduce_max3A_142 = tpu.scan <max>, %scan3A_138#0 masked %reduce_max3A_141 : vector<16xf32>, vector<16xi1> -> vector<16xf32>
        %reduce_max3A_143 = vector.extract %reduce_max3A_142[15] : f32 from vector<16xf32>
        %eq3A_144 = vector.broadcast %reduce_max3A_143 : f32 to vector<16xf32>
        %eq3A_145 = arith.cmpf oeq, %scan3A_138#0, %eq3A_144 : vector<16xf32>
        %jit3A_146 = arith.constant 3.000000e+38 : f32
        %broadcast_in_dim3A_147 = vector.broadcast %jit3A_146 : f32 to vector<16xf32>
        %select_n3A_148 = arith.select %eq3A_145, %scan3A_138#1, %broadcast_in_dim3A_147 : vector<16xi1>, vector<16xf32>
        %reduce_min3A_149 = arith.constant true
        %reduce_min3A_150 = vector.broadcast %reduce_min3A_149 : i1 to vector<16xi1>
        %reduce_min3A_151 = tpu.scan <min>, %select_n3A_148 masked %reduce_min3A_150 : vector<16xf32>, vector<16xi1> -> vector<16xf32>
        %reduce_min3A_152 = vector.extract %reduce_min3A_151[15] : f32 from vector<16xf32>
        scf.yield %reduce_max3A_143, %reduce_min3A_152 : f32, f32
      }
      %scan3A_40 = arith.constant 100 : i32
      %eq3A_41 = arith.constant 0 : i32
      %eq3A_42 = arith.cmpi eq, %arg1, %eq3A_41 : i32
      %convert_element_type3A_43 = arith.extui %eq3A_42 : i1 to i32
      %cond3A_44 = arith.constant 0 : i32
      %cond3A_45 = arith.cmpi ne, %convert_element_type3A_43, %cond3A_44 : i32
      scf.if %cond3A_45 {
        "tpu.region"() ({
          %run_scoped3A = tpu.sem_alloc : memref<!tpu.dma_semaphore, #tpu.memory_space<semaphore_mem>>
          tpu.enqueue_dma source(%arg8 : memref<100x16xf32, #tpu.memory_space<vmem>>) target(%arg3 : memref<100x16xf32, #tpu.memory_space<hbm>>) target_semaphore(%run_scoped3A : memref<!tpu.dma_semaphore, #tpu.memory_space<semaphore_mem>>)
          tpu.wait_dma2 semaphore(%run_scoped3A : memref<!tpu.dma_semaphore, #tpu.memory_space<semaphore_mem>>) src(%arg8 : memref<100x16xf32, #tpu.memory_space<vmem>>) dst(%arg3 : memref<100x16xf32, #tpu.memory_space<hbm>>)
          tpu.yield
        }) : () -> ()
      } else {
      }
    } else {
    }
    return
  }
}

</mosaic_0001>

<sc_bundles>
// kernel: _nms.3.cloned.1.call-start
scs
__scs_entry_jumppad:
0x0: {  	(pc) =	sbr.rel $0x88, $3  }
0x1: {  	(tag) =	ssettag $0x0;
	lr =	simm.s32 $0x1  }
0x2: {  	[smem:$0x3F9E] =	sst lr;
	_ =	strace $0xD0000000  }
0x3: {  	_ = 	snop  }
0x4: {  	_ = 	snop  }
0x5: {  	_ = 	snop  }
0x6: {  	_ = 	snop  }
0x7: {  	_ = 	snop  }
__scs_overlays_trampoline_lowered:
0x8: {  	[smem:$0x3FAD] =	sst s0  }
0x9: {  	[smem:$0x3FAE] =	sst s1  }
0xa: {  	[smem:$0x3FAF] =	sst s2  }
0xb: {  	[smem:$0x3FB0] =	sst s3  }
0xc: {  	[smem:$0x3FB1] =	sst s4  }
0xd: {  	[smem:$0x3FB2] =	sst s5  }
0xe: {  	[smem:$0x3FB3] =	sst s6  }
0xf: {  	[smem:$0x3FB4] =	sst s7  }
0x10: {  	[smem:$0x3FB5] =	sst s8  }
0x11: {  	[smem:$0x3FB6] =	sst s9;
	s0 =	simm.s32 @!p0 $0x0  }
0x12: {  	s1 =	sld [smem:$0x3F9C];
	s0 =	simm.s32 @p0 $0x1  }
0x13: {  	[smem:$0x3FB7] =	sst s0;
	s0 =	simm.s32 @!p1 $0x0  }
0x14: {  	s2 =	sld [smem:$0x3F9B];
	s0 =	simm.s32 @p1 $0x1  }
0x15: {  	[smem:$0x3FB8] =	sst s0;
	s0 =	simm.s32 @!p2 $0x0  }
0x16: {  	s3 =	sld [smem:$0x3FDB];
	s0 =	simm.s32 @p2 $0x1  }
0x17: {  	s4 =	simm.s32 $0x1BF5;
	[smem:$0x3FBA] =	sst s0  }
0x18: {  	s0 =	sld [smem:$0x3F9D];
	_ =	swait.ge [sflag:s4], $0x0  }
0x19: {  	s7 =	sld [smem:$0x3F9E]  }
0x1a: {  	s8 =	sadd.s32 $0xFFFFE003, lr  }
0x1b: {  	s9 =	sadd.s32 $0xFFFFFEF7, lr;
	s5 =	simm.s32 $0xFFFFFFFF;
	p2 =	slt.u32 s8, $0xFFFFF086  }
0x1c: {  	p1 =	slt.u32 s9, $0xF7A;
	s5 =	simm.s32 @!p2 $0x0  }
0x1d: {  	s5 =	simm.s32 @p1 $0x1;
	p0 =	seq.s32 s7, s2  }
0x1e: {  	s7 =	smul.u32 @!p0 $0xF7A, s2;
	p2 =	seq.s32 @!p0 s5, $0x0  }
0x1f: {  	s9 =	smul.u32 $0xF7A, s1;
	s8 =	simm.s32 @!p0 $0x1BF5;
	p2 =	por !p2, p0  }
0x20: {  	[sflag:s8] =	ssyncset.s32 @!p0 $0xFFFFF086;
	s6 =	sadd.s32 @!p0 s3, s7;
	s7 =	simm.s32 @!p0 $0x108  }
0x21: {  	s3 =	sadd.s32 s3, s9;
	s6 =	sadd.s32 @!p0 $0x88, s6;
	s7 =	simm.s32 @p2 $0x1082  }
0x22: {  	[simem:s7], [sflag:s8] =	dma.local @!p0 [hbm:s6], $0xF7A  }
0x23: {  	s9 =	sor.u32 $0xD0000000, s2;
	s6 =	simm.s32 $0x108;
	_ =	swait.ge @!p0 [sflag:s8], $0x0  }
0x24: {  	s3 =	sadd.s32 $0x88, s3;
	s6 =	simm.s32 @!p1 $0x1082;
	[sflag:s4] =	ssyncset.s32 $0xFFFFF086  }
0x25: {  	[simem:s6], [sflag:s4] =	dma.local [hbm:s3], $0xF7A  }
0x26: {  	[smem:$0x3F9E] =	sst s1;
	(tag) =	ssettag s2;
	_ =	strace s9  }
0x27: {  	s1 =	sld [smem:$0x3FAE]  }
0x28: {  	s2 =	sld [smem:$0x3FAF]  }
0x29: {  	s4 =	sld [smem:$0x3FB1]  }
0x2a: {  	p0 =	seq.s32 s5, $0x0;
	s5 =	sld [smem:$0x3FB2]  }
0x2b: {  	s6 =	sld [smem:$0x3FB3]  }
0x2c: {  	s7 =	sld [smem:$0x3FB4]  }
0x2d: {  	s3 =	simm.s32 $0x108;
	s8 =	sld [smem:$0x3FB5]  }
0x2e: {  	s3 =	simm.s32 @!p0 $0x1082;
	s9 =	sld [smem:$0x3FB6]  }
0x2f: {  	lr =	sadd.s32 s0, s3;
	s0 =	sld [smem:$0x3FAD]  }
0x30: {  	s3 =	sld [smem:$0x3FB0]  }
0x31: {  	[smem:$0x3FB9] =	sst s10  }
0x32: {  	s10 =	sld [smem:$0x3FB7];
	_ =	sdelay $0x3  }
0x33: {  	p0 =	seq.s32 s10, $0x1;
	s10 =	sld [smem:$0x3FB9];
	_ =	sdelay $0x3  }
0x34: {  	[smem:$0x3FB9] =	sst s10  }
0x35: {  	s10 =	sld [smem:$0x3FB8];
	_ =	sdelay $0x3  }
0x36: {  	p1 =	seq.s32 s10, $0x1;
	s10 =	sld [smem:$0x3FB9];
	_ =	sdelay $0x3  }
0x37: {  	[smem:$0x3FB9] =	sst s10  }
0x38: {  	s10 =	sld [smem:$0x3FBA]  }
0x39: {  	_ = 	snop;
	(pc) =	sbr.ind lr, $3  }
0x3a: {  	_ = 	snop  }
0x3b: {  	_ = 	snop  }
0x3c: {  	p2 =	seq.s32 s10, $0x1;
	s10 =	sld [smem:$0x3FB9]  }
0x3d: {  	_ =	shalt  }
0x3e: {  	_ =	shalt  }
0x3f: {  	_ =	shalt  }
0x40: {  	_ =	shalt  }
0x41: {  	_ =	shalt  }
0x42: {  	_ =	shalt  }
0x43: {  	_ =	shalt  }
0x44: {  	_ =	shalt  }
0x45: {  	_ =	shalt  }
0x46: {  	_ =	shalt  }
0x47: {  	_ =	shalt  }
0x48: {  	_ =	shalt  }
0x49: {  	_ =	shalt  }
0x4a: {  	_ =	shalt  }
0x4b: {  	_ =	shalt  }
0x4c: {  	_ =	shalt  }
0x4d: {  	_ =	shalt  }
0x4e: {  	_ =	shalt  }
0x4f: {  	_ =	shalt  }
0x50: {  	_ =	shalt  }
0x51: {  	_ =	shalt  }
0x52: {  	_ =	shalt  }
0x53: {  	_ =	shalt  }
0x54: {  	_ =	shalt  }
0x55: {  	_ =	shalt  }
0x56: {  	_ =	shalt  }
0x57: {  	_ =	shalt  }
0x58: {  	_ =	shalt  }
0x59: {  	_ =	shalt  }
0x5a: {  	_ =	shalt  }
0x5b: {  	_ =	shalt  }
0x5c: {  	_ =	shalt  }
0x5d: {  	_ =	shalt  }
0x5e: {  	_ =	shalt  }
0x5f: {  	_ =	shalt  }
0x60: {  	_ =	shalt  }
0x61: {  	_ =	shalt  }
0x62: {  	_ =	shalt  }
0x63: {  	_ =	shalt  }
0x64: {  	_ =	shalt  }
0x65: {  	_ =	shalt  }
0x66: {  	_ =	shalt  }
0x67: {  	_ =	shalt  }
0x68: {  	_ =	shalt  }
0x69: {  	_ =	shalt  }
0x6a: {  	_ =	shalt  }
0x6b: {  	_ =	shalt  }
0x6c: {  	_ =	shalt  }
0x6d: {  	_ =	shalt  }
0x6e: {  	_ =	shalt  }
0x6f: {  	_ =	shalt  }
0x70: {  	_ =	shalt  }
0x71: {  	_ =	shalt  }
0x72: {  	_ =	shalt  }
0x73: {  	_ =	shalt  }
0x74: {  	_ =	shalt  }
0x75: {  	_ =	shalt  }
0x76: {  	_ =	shalt  }
0x77: {  	_ =	shalt  }
0x78: {  	_ =	shalt  }
0x79: {  	_ =	shalt  }
0x7a: {  	_ =	shalt  }
0x7b: {  	_ =	shalt  }
0x7c: {  	_ =	shalt  }
0x7d: {  	_ =	shalt  }
0x7e: {  	_ =	shalt  }
0x7f: {  	_ =	shalt  }
0x80: {  	_ =	shalt  }
0x81: {  	_ =	shalt  }
0x82: {  	_ =	shalt  }
0x83: {  	_ =	shalt  }
0x84: {  	_ =	shalt  }
0x85: {  	_ =	shalt  }
0x86: {  	_ =	shalt  }
0x87: {  	_ =	shalt  }
.Lfunc_end0:
.L_simem_size_0:
called_computation_lowered:
.L_overlay_start_0:
0x88: {  	s0 =	sld [smem:$0x3FD9]  }
0x89: {  	s1 =	sld [smem:$0x3FFE];
	_ =	sdelay $0x3  }
0x8a: {  	s0 =	sadd.s32 s1, s0  }
0x8b: {  	[smem:$0x3FC5] =	sst s0  }
0x8c: {  	_ = 	snop  }
0x8d: {  	(tm) =	ssettm $0x1  }
0x8e: {  	s15 =	sld [smem:$0x3FFB];
	_ =	sdelay $0x3  }
0x8f: {  	_ =	strace s15  }
0x90: {  	s0 =	sld [smem:$0x3FFC];
	_ =	sdelay $0x3  }
0x91: {  	_ =	strace s0  }
0x92: {  	s0 =	sld [smem:$0x3FFD];
	_ =	sdelay $0x3  }
0x93: {  	_ =	strace s0  }
0x94: {  	_ =	strace $0x8FFFFFFF  }
0x95: {  	s16 =	sld [smem:$0x3FDB];
	_ =	sdelay $0x1  }
0x96: {  	s17 =	simm.s32 $_scs_section_size  }
0x97: {  	s2 =	simm.s32 $_size__tile_overlayer_lowered;
	s3 =	simm.s32 $_tile_overlayer_lowered  }
0x98: {  	s20 =	simm.s32 $0x1BFF;
	s19 =	sshll.u32 s3, $0x1;
	s0 =	sadd.s32 s17, s16  }
0x99: {  	s4 =	simm.s32 $0x0;
	s18 =	sshll.u32 s2, $0x1;
	s2 =	sadd.s32 s19, s0  }
0x9a: {  	[timem:s4], [sflag:s20] =	dma.local [hbm:s2], s18  }
0x9b: {  	_ =	swait.ge [sflag:s20], s18  }
0x9c: {  	s1 =	ssub.s32 $0x0, s18;
	[sflag:s20] =	ssyncset.done $0x0  }
0x9d: {  	[sflag:s20] =	ssyncadd.s32 s1;
	_ =	sdelay $0x1  }
0x9e: {  	s21 =	simm.s32 $0x1B8B  }
0x9f: {  	_ =	swait.ge [sflag:s21], $0x1  }
0xa0: {  	[sflag:s21] =	ssyncset.done $0x0  }
0xa1: {  	s23 =	simm.s32 $0x1B8E;
	s22 =	sld [smem:$0x3FFE];
	[sflag:s21] =	ssyncadd.s32 $0xFFFFFFFF  }
0xa2: {  	s24 =	simm.s32 $execute0_lowered;
	[smem:$0x3FD2] =	sst s23  }
0xa3: {  	s2 =	sshll.u32 s24, $0x1;
	_ =	strace $0x80000046;
	[dreg:$0x1] =	wrdreg $0xFFFFFFFF  }
0xa4: {  	s25 =	simm.s32 $_size_execute0_lowered;
	s0 =	sadd.s32 s0, s2;
	[dreg:$0x0] =	wrdreg $0x0  }
0xa5: {  	s2 =	sshll.u32 s25, $0x1;
	[dreg:$0x2] =	wrdreg s0  }
0xa6: {  	[dreg:$0x3] =	wrdreg s2  }
0xa7: {  	[dreg:$0x4] =	wrdreg $0xC0  }
0xa8: {  	_ =	task [dreg:s4], $0x5FFFF  }
0xa9: {  	[dreg:$0x1] =	wrdreg $0xFFFFFFFF  }
0xaa: {  	[dreg:$0x0] =	wrdreg $0x60  }
0xab: {  	[dreg:$0x2] =	wrdreg s22  }
0xac: {  	[dreg:$0x3] =	wrdreg $0xE3500  }
0xad: {  	[dreg:$0x4] =	wrdreg $0x9  }
0xae: {  	_ =	task.clear_ibuf [dreg:s4], $0x5FFFF;
	_ =	strace $0x90000046  }
0xaf: {  	s26 =	simm.s32 $0x9;
	_ =	strace $0x80000048  }
0xb0: {  	_ =	swait.ge [sflag:s26], $0x1  }
0xb1: {  	[sflag:s26] =	ssyncadd.s32 $0xFFFFFFFF  }
0xb2: {  	_ =	strace $0x90000048  }
0xb3: {  	_ =	sfence  }
0xb4: {  	s28 =	sld [smem:$0x0];
	_ =	sdelay $0x1  }
0xb5: {  	s29 =	srdreg.scid  }
0xb6: {  	s30 =	sshll.u32 s29, $0xD;
	s31 =	sshrl.u32 s29, $0x2  }
0xb7: {  	s1 =	sand.u32 $0x1, s29;
	s2 =	sand.u32 $0x4000, s30;
	s0 =	sadd.s32 s31, s28  }
0xb8: {  	s1 =	sor.u32 s2, s1;
	s0 =	sshll.u32 s0, $0x11  }
0xb9: {  	s0 =	sor.u32 s0, s1  }
0xba: {  	s0 =	sadd.s32 $0x8F2B, s0  }
0xbb: {  	[sflag:s0] =	ssyncadd.remote.s32 $0x1  }
0xbc: {  	_ =	sfence.sel $0xFFFF  }
0xbd: {  	[dreg:$0x0] =	wrdreg $0xFFFFFFFF;
	(pc) =	sbr.abs _section_cstart, $3  }
0xbe: {  	[dreg:$0x1] =	wrdreg $0xFFFFFFFF  }
0xbf: {  	_ =	task.clear_ibuf [dreg:s4], $0x2FFFF;
	_ =	strace $0x9FFFFFFF  }
0xc0: {  	(tm) =	ssettm $0x7FFFFFFF  }
0xc1: {  	_ =	shalt  }
tec
execute0_lowered:
.L_overlay_start_1:
0x0: {  	(tag) =	ssettag $0x1  }
0x1: {  	s3 =	rddreg [dreg:$0x0]  }
0x2: {  	s1 =	rddreg [dreg:$0x1]  }
0x3: {  	s0 =	rddreg [dreg:$0x2];
	s5 =	simm.s32 $0x0;
	s4 =	stileid.u32  }
0x4: {  	[smem:$0x7FF] =	sst s5;
	s2 =	sadd.s32 $0x400, s3;
	p0 =	seq.s32 s4, $0xF  }
0x5: {  	_ =	strace $0x80000047;
	s6 =	sadd.s32 @p0 $0x10680, s2;
	s7 =	simm.s32 @p0 $0x0  }
0x6: {  	[tilespmem:s7], [sflag:$0x1] =	stream.linear.gather @p0 [hbm4b:s6+s7], $0x5780, $0x38;
	[tilespmem:$0xE370] =	vst v63  }
0x7: {  	v0 =	vlaneseq.u32;
	s6 =	simm.s32 @p0 $0x1  }
0x8: {  	v3 =	vor.u32 s5, v0;
	s7 =	smul.u32 @!p0 $0x1180, s4;
	_ =	swait.ge @p0 [sflag:s6], $0x5780  }
0x9: {  	v4 =	vmul.u32 $0x1C, v3;
	[sflag:s6] =	ssyncset.done @p0 $0x0  }
0xa: {  	s2 =	sadd.s32 @!p0 s2, s7;
	[sflag:s6] =	ssyncadd.s32 @p0 $0xFFFFA880;
	s6 =	simm.s32 @!p0 $0x0  }
0xb: {  	v5 =	vand.u32 $0xFFFC, v4;
	v1 =	vadd.s32 $0x9, v4;
	[tilespmem:s6], [sflag:$0x1] =	stream.linear.gather @!p0 [hbm4b:s2+s6], $0x8C00, $0x38;
	[tilespmem:$0xE370] =	vst v63  }
0xc: {  	v2 =	vadd.s32 $0x8, v5;
	s2 =	simm.s32 @!p0 $0x1  }
0xd: {  	v6 =	vadd.s32 $0xA, v4;
	_ =	swait.ge @!p0 [sflag:s2], $0x8C00  }
0xe: {  	v7 =	vadd.s32 $0x18, v5;
	[sflag:s2] =	ssyncset.done @!p0 $0x0  }
0xf: {  	v8 =	vadd.s32 $0xB, v4;
	[sflag:s2] =	ssyncadd.s32 @!p0 $0xFFFF7400  }
0x10: {  	v1 =	vld.idx.msk [tilespmem:v1+s5+$0x0], $0xffff  }
0x11: {  	v2 =	vld.idx.msk [tilespmem:v2+s5+$0x0], $0xffff  }
0x12: {  	v9 =	vadd.s32 $0xC, v4;
	v6 =	vld.idx.msk [tilespmem:v6+s5+$0x0], $0xffff  }
0x13: {  	v10 =	vadd.s32 $0xD, v4;
	v7 =	vld.idx.msk [tilespmem:v7+s5+$0x0], $0xffff  }
0x14: {  	v11 =	vadd.s32 $0xE, v4;
	v8 =	vld.idx.msk [tilespmem:v8+s5+$0x0], $0xffff  }
0x15: {  	v1 =	vsub.f32 $0.0e+00, v1  }
0x16: {  	v2 =	vsub.f32 $0.0e+00, v2  }
0x17: {  	v12 =	vadd.s32 $0xF, v4;
	v9 =	vld.idx.msk [tilespmem:v9+s5+$0x0], $0xffff;
	v6 =	vsub.f32 $0.0e+00, v6;
	v1 =	vmul.f32 $1.442695020e+00, v1  }
0x18: {  	v10 =	vld.idx.msk [tilespmem:v10+s5+$0x0], $0xffff;
	v7 =	vsub.f32 $0.0e+00, v7;
	v2 =	vmul.f32 $1.442695020e+00, v2  }
0x19: {  	v11 =	vld.idx.msk [tilespmem:v11+s5+$0x0], $0xffff;
	v8 =	vsub.f32 $0.0e+00, v8;
	v6 =	vmul.f32 $1.442695020e+00, v6;
	(erf) = vpow2.f32 v1  }
0x1a: {  	v7 =	vmul.f32 $1.442695020e+00, v7;
	(erf) = vpow2.f32 v2  }
0x1b: {  	v8 =	vmul.f32 $1.442695020e+00, v8;
	(erf) = vpow2.f32 v6  }
0x1c: {  	v12 =	vld.idx.msk [tilespmem:v12+s5+$0x0], $0xffff;
	v9 =	vsub.f32 $0.0e+00, v9;
	v6 =	vadd.s32 $0x11, v4;
	(erf) = vpow2.f32 v7  }
0x1d: {  	v5 =	vadd.s32 $0x10, v5;
	v7 =	vsub.f32 $0.0e+00, v10;
	(erf) = vpow2.f32 v8  }
0x1e: {  	v11 =	vsub.f32 $0.0e+00, v11;
	v9 =	vmul.f32 $1.442695020e+00, v9  }
0x1f: {  	v7 =	vmul.f32 $1.442695020e+00, v7  }
0x20: {  	v11 =	vmul.f32 $1.442695020e+00, v11;
	v10 =	vadd.s32 $0x13, v4;
	(erf) = vpow2.f32 v9  }
0x21: {  	v12 =	vsub.f32 $0.0e+00, v12;
	v8 =	vadd.s32 $0x12, v4;
	v6 =	vld.idx.msk [tilespmem:v6+s5+$0x0], $0xffff;
	(erf) = vpow2.f32 v7  }
0x22: {  	v13 =	vadd.s32 $0x14, v4;
	v5 =	vld.idx.msk [tilespmem:v5+s5+$0x0], $0xffff;
	v16 =	vpop (erf)  }
0x23: {  	v14 =	vadd.s32 $0x15, v4;
	v12 =	vmul.f32 $1.442695020e+00, v12;
	v19 =	vpop (erf)  }
0x24: {  	v15 =	vadd.s32 $0x19, v4;
	(erf) = vpow2.f32 v11;
	v16 =	vadd.f32 $1.000000000e+00, v16;
	v11 =	vpop (erf)  }
0x25: {  	v17 =	vadd.s32 $0x7, v4;
	v10 =	vld.idx.msk [tilespmem:v10+s5+$0x0], $0xffff;
	(erf) = vpow2.f32 v12;
	v19 =	vadd.f32 $1.000000000e+00, v19;
	v63 =	vpop (erf)  }
0x26: {  	v8 =	vld.idx.msk [tilespmem:v8+s5+$0x0], $0xffff;
	v11 =	vadd.f32 $1.000000000e+00, v11;
	v6 =	vsub.f32 $0.0e+00, v6;
	(erf) = vrcp.f32 v16;
	v23 =	vpop (erf)  }
0x27: {  	v13 =	vld.idx.msk [tilespmem:v13+s5+$0x0], $0xffff;
	v5 =	vsub.f32 $0.0e+00, v5;
	(erf) = vrcp.f32 v19;
	v16 =	vadd.f32 $1.000000000e+00, v23  }
0x28: {  	v9 =	vadd.s32 $0x16, v4;
	v6 =	vmul.f32 $1.442695020e+00, v6;
	(erf) = vrcp.f32 v11  }
0x29: {  	v14 =	vld.idx.msk [tilespmem:v14+s5+$0x0], $0xffff;
	v5 =	vmul.f32 $1.442695020e+00, v5;
	v7 =	vadd.s32 $0x17, v4;
	v22 =	vpop (erf);
	(erf) = vrcp.f32 v16  }
0x2a: {  	v17 =	vld.idx.msk [tilespmem:v17+s5+$0x0], $0xffff;
	v10 =	vsub.f32 $0.0e+00, v10;
	v25 =	vadd.f32 $1.000000000e+00, v22;
	v26 =	vpop (erf);
	(erf) = vpow2.f32 v6  }
0x2b: {  	v8 =	vsub.f32 $0.0e+00, v8;
	v22 =	vadd.f32 $1.000000000e+00, v26;
	(erf) = vpow2.f32 v5  }
0x2c: {  	v13 =	vsub.f32 $0.0e+00, v13;
	v10 =	vmul.f32 $1.442695020e+00, v10;
	(erf) = vrcp.f32 v25  }
0x2d: {  	v20 =	vadd.s32 $0x1B, v4;
	v9 =	vld.idx.msk [tilespmem:v9+s5+$0x0], $0xffff;
	v8 =	vmul.f32 $1.442695020e+00, v8;
	v27 =	vpop (erf);
	(erf) = vrcp.f32 v22  }
0x2e: {  	v13 =	vmul.f32 $1.442695020e+00, v13;
	v16 =	vadd.f32 $1.000000000e+00, v27;
	v28 =	vpop (erf);
	(erf) = vpow2.f32 v10  }
0x2f: {  	v10 =	vsub.f32 $0.0e+00, v14;
	v29 =	vpop (erf);
	(erf) = vpow2.f32 v8;
	v8 =	vmin.f32 v17, $4.135166650e+00  }
0x30: {  	v7 =	vld.idx.msk [tilespmem:v7+s5+$0x0], $0xffff;
	v30 =	vadd.f32 $1.000000000e+00, v28;
	v31 =	vpop (erf);
	(erf) = vrcp.f32 v16;
	v8 =	vmul.f32 $1.442695020e+00, v8  }
0x31: {  	v18 =	vadd.s32 $0x1A, v4;
	v10 =	vmul.f32 $1.442695020e+00, v10;
	v32 =	vpop (erf);
	(erf) = vpow2.f32 v13  }
0x32: {  	v20 =	vld.idx.msk [tilespmem:v20+s5+$0x0], $0xffff;
	v9 =	vsub.f32 $0.0e+00, v9;
	v33 =	vpop (erf);
	(erf) = vrcp.f32 v30  }
0x33: {  	v21 =	vor.u32 $0x3, v4;
	v24 =	vadd.s32 $0x6, v4;
	v34 =	vpop (erf);
	(erf) = vpow2.f32 v10  }
0x34: {  	v35 =	vld.idx.msk [tilespmem:v15+s5+$0x0], $0xffff;
	v9 =	vmul.f32 $1.442695020e+00, v9;
	vm0 =	vgt.f32 v29, v31;
	(erf) = vpow2.f32 v8;
	v8 =	vpop (erf)  }
0x35: {  	v7 =	vsub.f32 $0.0e+00, v7;
	v14 =	vsel vm0, v29, v31;
	v8 =	vadd.f32 $1.000000000e+00, v8  }
0x36: {  	vm1 =	vgt.f32 v32, v14;
	v36 =	vadd.f32 $1.000000000e+00, v34;
	v37 =	vpop (erf);
	(erf) = vpow2.f32 v9;
	v9 =	vld.idx.msk [tilespmem:v18+s5+$0x0], $0xffff  }
0x37: {  	v39 =	vor.u32 $0x2, v4;
	v44 =	vsub.f32 $0.0e+00, v20;
	v14 =	vsel vm1, v32, v14;
	v38 =	vpop (erf)  }
0x38: {  	v7 =	vmul.f32 $1.442695020e+00, v7;
	vm2 =	vgt.f32 v33, v14;
	(erf) = vrcp.f32 v36;
	v40 =	vpop (erf)  }
0x39: {  	v12 =	vsub.f32 $0.0e+00, v35;
	v13 =	vsel vm2, v33, v14;
	(erf) = vrcp.f32 v8;
	v8 =	vpop (erf)  }
0x3a: {  	vm3 =	vgt.f32 v37, v13;
	(erf) = vpow2.f32 v7;
	v41 =	vpop (erf);
	v7 =	vadd.f32 $1.000000000e+00, v8  }
0x3b: {  	v13 =	vsel vm3, v37, v13;
	v14 =	vadd.f32 $1.000000000e+00, v40;
	v9 =	vsub.f32 $0.0e+00, v9;
	v8 =	vpop (erf)  }
0x3c: {  	v12 =	vmul.f32 $1.442695020e+00, v12;
	vm4 =	vgt.f32 v38, v13;
	v8 =	vadd.f32 $1.000000000e+00, v8  }
0x3d: {  	v43 =	vld.idx.msk [tilespmem:v24+s5+$0x0], $0xffff;
	v13 =	vsel vm4, v38, v13;
	(erf) = vrcp.f32 v14;
	v42 =	vpop (erf);
	v9 =	vmul.f32 $1.442695020e+00, v9  }
0x3e: {  	v11 =	vadd.s32 $0x4, v4;
	vm5 =	vgt.f32 v41, v13;
	(erf) = vrcp.f32 v7;
	v7 =	vpop (erf)  }
0x3f: {  	v6 =	vadd.s32 $0x5, v4;
	v13 =	vsel vm5, v41, v13;
	(erf) = vpow2.f32 v12;
	v45 =	vpop (erf)  }
0x40: {  	vm6 =	vgt.f32 v42, v13;
	(erf) = vrcp.f32 v8;
	v7 =	vadd.f32 $1.000000000e+00, v7;
	v8 =	vpop (erf)  }
0x41: {  	v48 =	vmul.f32 $1.442695020e+00, v44;
	v13 =	vsel vm6, v42, v13;
	(erf) = vpow2.f32 v9;
	v9 =	vpop (erf)  }
0x42: {  	v46 =	vld.idx.msk [tilespmem:v39+s5+$0x0], $0xffff;
	v8 =	vadd.f32 $1.000000000e+00, v8;
	(erf) = vrcp.f32 v7;
	v7 =	vmin.f32 v43, $4.135166650e+00;
	v49 =	vpop (erf)  }
0x43: {  	v47 =	vld.idx.msk [tilespmem:v21+s5+$0x0], $0xffff;
	v2 =	vimm.f32 $0.0e+00;
	v7 =	vmul.f32 $1.442695020e+00, v7;
	vm7 =	vgt.f32 v49, v13  }
0x44: {  	v5 =	vor.u32 $0x1, v4;
	v11 =	vld.idx.msk [tilespmem:v11+s5+$0x0], $0xffff;
	(erf) = vrcp.f32 v8;
	v50 =	vpop (erf);
	v13 =	vsel vm7, v49, v13  }
0x45: {  	s2 =	smul.u32 $0x500, s4;
	v6 =	vld.idx.msk [tilespmem:v6+s5+$0x0], $0xffff;
	(erf) = vpow2.f32 v48;
	v14 =	vadd.f32 $1.000000000e+00, v50;
	vm8 =	vgt.f32 v9, v13  }
0x46: {  	v10 =	vadd.f32 $1.000000000e+00, v63;
	v52 =	vpop (erf);
	(erf) = vpow2.f32 v7;
	v9 =	vsel vm8, v9, v13  }
0x47: {  	v1 =	vmov s2;
	v53 =	vsel vm0, $0x45800000, v2;
	v7 =	vpop (erf);
	(erf) = vrcp.f32 v14  }
0x48: {  	v13 =	vsel vm1, $0x46000000, v53;
	vm0 =	vgt.f32 v7, v9;
	v54 =	vpop (erf);
	(erf) = vrcp.f32 v10  }
0x49: {  	v13 =	vsel vm2, $0x46400000, v13;
	v7 =	vsel vm0, v7, v9;
	v10 =	vadd.f32 $1.000000000e+00, v54;
	v9 =	vpop (erf)  }
0x4a: {  	v11 =	vmul.f32 v11, v46;
	v6 =	vmul.f32 v6, v47;
	v13 =	vsel vm3, $0x46800000, v13;
	v55 =	vpop (erf)  }
0x4b: {  	v5 =	vld.idx.msk [tilespmem:v5+s5+$0x0], $0xffff;
	vm1 =	vgt.f32 v52, v7;
	v56 =	vpop (erf);
	(erf) = vrcp.f32 v10;
	v10 =	vsel vm4, $0x46A00000, v13  }
0x4c: {  	v3 =	vadd.s32 v1, v3;
	v11 =	vmax.f32 v11, $-3.200000000e+01;
	v7 =	vsel vm1, v52, v7  }
0x4d: {  	v6 =	vmax.f32 v6, $-3.200000000e+01;
	v14 =	vadd.f32 $1.000000000e+00, v55;
	vm2 =	vgt.f32 v9, v7;
	v57 =	vpop (erf)  }
0x4e: {  	v6 =	vmin.f32 v6, $3.200000000e+01;
	v7 =	vsel vm2, v9, v7;
	v9 =	vsel vm5, $0x46C00000, v10;
	v10 =	vpop (erf)  }
0x4f: {  	(erf) = vrcp.f32 v14;
	vm3 =	vgt.f32 v56, v7;
	v10 =	vadd.f32 $1.000000000e+00, v10  }
0x50: {  	v5 =	vadd.f32 v6, v5;
	v9 =	vsel vm6, $0x46E00000, v9;
	v7 =	vsel vm3, v56, v7  }
0x51: {  	v4 =	vld.idx.msk [tilespmem:v4+s5+$0x0], $0xffff;
	v9 =	vsel vm7, $0x47000000, v9;
	v59 =	vpop (erf);
	vm15 =	vgt.f32 v57, v7;
	(erf) = vrcp.f32 v10  }
0x52: {  	v9 =	vsel vm8, $0x47100000, v9;
	v7 =	vsel vm15, v57, v7;
	v10 =	vmin.f32 v11, $3.200000000e+01;
	v11 =	vpop (erf)  }
0x53: {  	v51 =	vmul.f32 v45, v47;
	v9 =	vsel vm0, $0x47200000, v9;
	vm0 =	vgt.f32 v11, v7  }
0x54: {  	v8 =	vcvt.s32.f32 v3;
	v9 =	vsel vm1, $0x47300000, v9;
	v60 =	vpop (erf);
	v7 =	vsel vm0, v11, v7  }
0x55: {  	v12 =	vmul.f32 v59, v46;
	v9 =	vsel vm2, $0x47400000, v9;
	vm1 =	vgt.f32 v60, v7  }
0x56: {  	v10 =	vadd.f32 v10, v4;
	v9 =	vsel vm3, $0x47500000, v9;
	v61 =	vpop (erf);
	v7 =	vsel vm1, v60, v7  }
0x57: {  	v11 =	vmul.f32 $5.000000000e-01, v12;
	v9 =	vsel vm15, $0x47600000, v9;
	vm2 =	vgt.f32 v61, v7  }
0x58: {  	s7 =	simm.s32 $0xA500;
	v58 =	vmul.f32 $5.000000000e-01, v51;
	v9 =	vsel vm0, $0x47700000, v9;
	v62 =	vpop (erf);
	v7 =	vsel vm2, v61, v7  }
0x59: {  	[tilespmem:s7+$0xFFFFEC00] =	vst v8;
	v8 =	vsub.f32 v10, v11;
	v4 =	vsel vm1, $0x47800000, v9;
	vm0 =	vgt.f32 v62, v7  }
0x5a: {  	v6 =	vsel vm2, $0x47880000, v4;
	v4 =	vadd.f32 v11, v10;
	v7 =	vsel vm0, v62, v7;
	v63 =	vpop (erf)  }
0x5b: {  	v11 =	vsub.f32 v5, v58;
	v9 =	vsel vm0, $0x47900000, v6;
	vm0 =	vgt.f32 v63, v7  }
0x5c: {  	s8 =	simm.s32 $0x10;
	v6 =	vadd.f32 v58, v5;
	[tilespmem:s7+$0x1400] =	vst v4;
	v5 =	vsel vm0, v63, v7;
	v9 =	vsel vm0, $0x47980000, v9  }
0x5d: {  	s9 =	simm.s32 $0xA500;
	s3 =	sadd.s32 $0x11600, s3;
	s6 =	sshll.u32 s4, $0x6;
	[tilespmem:s7+$0xF00] =	vst v11;
	vm0 =	vge.f32 v5, $5.000000070e-02;
	v10 =	vadd.f32 v9, v8;
	v7 =	vadd.f32 v9, v11  }
.LBB2_1:
0x5e: {  	p0 =	sne.s32 s8, $0x4F0  }
0x5f: {  	v4 =	vadd.f32 v9, v4;
	[tilespmem:s7+$0xA00] =	vst v8;
	s9 =	sadd.s32 $0x10, s9;
	s10 =	smov.u32 s8;
	s8 =	sadd.s32 $0x10, s8  }
0x60: {  	v8 =	vadd.f32 v9, v6;
	[tilespmem:s7+$0xFFFFF100] =	vst v10  }
0x61: {  	[tilespmem:s7+$0xFFFFFB00] =	vst v4;
	v9 =	vsub.f32 v4, v10  }
0x62: {  	v10 =	vor.u32 s10, v0;
	[tilespmem:s7+$0x0] =	vst v8;
	v8 =	vsub.f32 v8, v7  }
0x63: {  	vm1 =	vlt.u32 v3, $0x4E20;
	v4 =	vmul.u32 $0x1C, v10;
	v3 =	vadd.s32 v1, v10;
	[tilespmem:s7+$0xFFFFF600] =	vst v7  }
0x64: {  	vm0 =	vmand vm1, vm0;
	v7 =	vmul.f32 v8, v9;
	[tilespmem:s7+$0x1900] =	vst v6  }
0x65: {  	v5 =	vnsel vm0, $0x0, v5;
	v6 =	vand.u32 $0xFFFC, v4;
	v8 =	vadd.s32 $0x9, v4  }
0x66: {  	v10 =	vadd.s32 $0xA, v4;
	v12 =	vadd.s32 $0xB, v4;
	v11 =	vadd.s32 $0x8, v6;
	[tilespmem:s7+$0x500] =	vst v7  }
0x67: {  	v13 =	vadd.s32 $0xE, v4;
	v14 =	vadd.s32 $0x18, v6;
	v7 =	vadd.s32 $0xD, v4;
	[tilespmem:s7+$0xFFFFE700] =	vst v5;
	s7 =	smov.u32 s9  }
0x68: {  	v15 =	vadd.s32 $0x11, v4;
	v16 =	vadd.s32 $0x12, v4;
	v5 =	vadd.s32 $0x10, v6  }
0x69: {  	v17 =	vadd.s32 $0x13, v4;
	v18 =	vadd.s32 $0x14, v4;
	v19 =	vadd.s32 $0x15, v4  }
0x6a: {  	v21 =	vadd.s32 $0x16, v4;
	v22 =	vadd.s32 $0x17, v4;
	v9 =	vadd.s32 $0x19, v4;
	v20 =	vld.idx.msk [tilespmem:v8+s5+$0x0], $0xffff  }
0x6b: {  	v23 =	vadd.s32 $0x7, v4;
	v6 =	vadd.s32 $0x1A, v4;
	v8 =	vadd.s32 $0x1B, v4;
	v24 =	vld.idx.msk [tilespmem:v10+s5+$0x0], $0xffff  }
0x6c: {  	v25 =	vadd.s32 $0x6, v4;
	v26 =	vadd.s32 $0xC, v4;
	v10 =	vor.u32 $0x3, v4;
	v11 =	vld.idx.msk [tilespmem:v11+s5+$0x0], $0xffff  }
0x6d: {  	v27 =	vadd.s32 $0x4, v4;
	v28 =	vadd.s32 $0x5, v4;
	v29 =	vor.u32 $0x1, v4;
	v14 =	vld.idx.msk [tilespmem:v14+s5+$0x0], $0xffff;
	_ =	sdelay $0x1  }
0x6e: {  	v12 =	vld.idx.msk [tilespmem:v12+s5+$0x0], $0xffff;
	_ =	sdelay $0x1  }
0x6f: {  	v20 =	vsub.f32 $0.0e+00, v20;
	v24 =	vsub.f32 $0.0e+00, v24;
	v26 =	vld.idx.msk [tilespmem:v26+s5+$0x0], $0xffff  }
0x70: {  	v30 =	vadd.s32 $0xF, v4;
	v11 =	vsub.f32 $0.0e+00, v11  }
0x71: {  	v20 =	vmul.f32 $1.442695020e+00, v20;
	v24 =	vmul.f32 $1.442695020e+00, v24;
	v14 =	vsub.f32 $0.0e+00, v14;
	v7 =	vld.idx.msk [tilespmem:v7+s5+$0x0], $0xffff  }
0x72: {  	v11 =	vmul.f32 $1.442695020e+00, v11  }
0x73: {  	v12 =	vsub.f32 $0.0e+00, v12;
	v14 =	vmul.f32 $1.442695020e+00, v14;
	v13 =	vld.idx.msk [tilespmem:v13+s5+$0x0], $0xffff;
	(erf) = vpow2.f32 v20  }
0x74: {  	(erf) = vpow2.f32 v11  }
0x75: {  	v11 =	vmul.f32 $1.442695020e+00, v12;
	v12 =	vsub.f32 $0.0e+00, v26;
	v20 =	vld.idx.msk [tilespmem:v30+s5+$0x0], $0xffff;
	(erf) = vpow2.f32 v24  }
0x76: {  	(erf) = vpow2.f32 v14  }
0x77: {  	v12 =	vmul.f32 $1.442695020e+00, v12;
	v7 =	vsub.f32 $0.0e+00, v7;
	v14 =	vld.idx.msk [tilespmem:v23+s5+$0x0], $0xffff;
	(erf) = vpow2.f32 v11  }
0x78: {  	v5 =	vld.idx.msk [tilespmem:v5+s5+$0x0], $0xffff  }
0x79: {  	v23 =	vmul.f32 $1.442695020e+00, v7;
	v11 =	vsub.f32 $0.0e+00, v13;
	(erf) = vpow2.f32 v12  }
0x7a: {  	v12 =	vld.idx.msk [tilespmem:v15+s5+$0x0], $0xffff  }
0x7b: {  	v11 =	vmul.f32 $1.442695020e+00, v11;
	v13 =	vsub.f32 $0.0e+00, v20;
	(erf) = vpow2.f32 v23  }
0x7c: {  	v15 =	vld.idx.msk [tilespmem:v16+s5+$0x0], $0xffff;
	v7 =	vpop (erf)  }
0x7d: {  	v20 =	vmul.f32 $1.442695020e+00, v13;
	v23 =	vadd.f32 $1.000000000e+00, v7;
	v16 =	vpop (erf);
	(erf) = vpow2.f32 v11  }
0x7e: {  	v11 =	vmin.f32 v14, $4.135166650e+00;
	v5 =	vsub.f32 $0.0e+00, v5;
	v14 =	vadd.f32 $1.000000000e+00, v16;
	v16 =	vld.idx.msk [tilespmem:v17+s5+$0x0], $0xffff;
	v17 =	vpop (erf)  }
0x7f: {  	v11 =	vmul.f32 $1.442695020e+00, v11;
	v17 =	vadd.f32 $1.000000000e+00, v17;
	(erf) = vpow2.f32 v20;
	v13 =	vpop (erf)  }
0x80: {  	v5 =	vmul.f32 $1.442695020e+00, v5;
	v12 =	vsub.f32 $0.0e+00, v12;
	v18 =	vld.idx.msk [tilespmem:v18+s5+$0x0], $0xffff;
	(erf) = vrcp.f32 v23;
	v7 =	vpop (erf)  }
0x81: {  	v20 =	vld.idx.msk [tilespmem:v25+s5+$0x0], $0xffff;
	v23 =	vadd.f32 $1.000000000e+00, v7;
	v7 =	vadd.f32 $1.000000000e+00, v13;
	(erf) = vrcp.f32 v14  }
0x82: {  	v12 =	vmul.f32 $1.442695020e+00, v12;
	v13 =	vsub.f32 $0.0e+00, v15;
	v14 =	vld.idx.msk [tilespmem:v19+s5+$0x0], $0xffff;
	(erf) = vrcp.f32 v17;
	v15 =	vpop (erf)  }
0x83: {  	v15 =	vadd.f32 $1.000000000e+00, v15;
	(erf) = vrcp.f32 v23  }
0x84: {  	v13 =	vmul.f32 $1.442695020e+00, v13;
	v16 =	vsub.f32 $0.0e+00, v16;
	v17 =	vpop (erf);
	(erf) = vpow2.f32 v12  }
0x85: {  	v12 =	vor.u32 $0x2, v4;
	v23 =	vadd.f32 $1.000000000e+00, v17;
	v19 =	vld.idx.msk [tilespmem:v21+s5+$0x0], $0xffff;
	(erf) = vpow2.f32 v5  }
0x86: {  	v16 =	vmul.f32 $1.442695020e+00, v16;
	v18 =	vsub.f32 $0.0e+00, v18;
	v4 =	vld.idx.msk [tilespmem:v4+s5+$0x0], $0xffff;
	(erf) = vrcp.f32 v15;
	v5 =	vpop (erf)  }
0x87: {  	v15 =	vmin.f32 v20, $4.135166650e+00;
	v20 =	vadd.f32 $1.000000000e+00, v5;
	v21 =	vld.idx.msk [tilespmem:v22+s5+$0x0], $0xffff;
	(erf) = vrcp.f32 v23  }
0x88: {  	v15 =	vmul.f32 $1.442695020e+00, v15;
	v14 =	vsub.f32 $0.0e+00, v14;
	v5 =	vld.idx.msk [tilespmem:v29+s5+$0x0], $0xffff;
	v17 =	vpop (erf);
	(erf) = vpow2.f32 v16  }
0x89: {  	v18 =	vmul.f32 $1.442695020e+00, v18;
	v16 =	vld.idx.msk [tilespmem:v28+s5+$0x0], $0xffff;
	v17 =	vadd.f32 $1.000000000e+00, v17;
	v22 =	vpop (erf);
	(erf) = vpow2.f32 v13  }
0x8a: {  	v14 =	vmul.f32 $1.442695020e+00, v14;
	v13 =	vld.idx.msk [tilespmem:v27+s5+$0x0], $0xffff;
	v23 =	vpop (erf);
	(erf) = vrcp.f32 v20  }
0x8b: {  	v25 =	vsub.f32 $0.0e+00, v19;
	v20 =	vld.idx.msk [tilespmem:v10+s5+$0x0], $0xffff;
	vm0 =	vgt.f32 v22, v23;
	v24 =	vpop (erf);
	(erf) = vpow2.f32 v18  }
0x8c: {  	v18 =	vcvt.s32.f32 v3;
	v10 =	vld.idx.msk [tilespmem:v12+s5+$0x0], $0xffff;
	v12 =	vsel vm0, v22, v23;
	v22 =	vpop (erf);
	(erf) = vrcp.f32 v17  }
0x8d: {  	v23 =	vmul.f32 $1.442695020e+00, v25;
	vm1 =	vgt.f32 v24, v12;
	v9 =	vld.idx.msk [tilespmem:v9+s5+$0x0], $0xffff;
	v19 =	vpop (erf);
	(erf) = vpow2.f32 v14  }
0x8e: {  	v12 =	vsel vm1, v24, v12;
	v14 =	vadd.f32 $1.000000000e+00, v19;
	v8 =	vld.idx.msk [tilespmem:v8+s5+$0x0], $0xffff;
	(erf) = vpow2.f32 v11;
	v11 =	vpop (erf)  }
0x8f: {  	v19 =	vsub.f32 $0.0e+00, v21;
	v24 =	vadd.f32 $1.000000000e+00, v11;
	v6 =	vld.idx.msk [tilespmem:v6+s5+$0x0], $0xffff;
	v21 =	vpop (erf);
	(erf) = vpow2.f32 v23  }
0x90: {  	vm2 =	vgt.f32 v22, v12;
	[tilespmem:s9+$0xFFFFEC00] =	vst v18;
	v17 =	vpop (erf);
	(erf) = vrcp.f32 v14  }
0x91: {  	v12 =	vsel vm2, v22, v12;
	v14 =	vmul.f32 $1.442695020e+00, v19;
	(erf) = vrcp.f32 v24;
	v11 =	vpop (erf)  }
0x92: {  	v13 =	vmul.f32 v13, v10;
	vm3 =	vgt.f32 v21, v12;
	v11 =	vadd.f32 $1.000000000e+00, v11;
	v18 =	vpop (erf)  }
0x93: {  	v12 =	vsel vm3, v21, v12;
	v9 =	vsub.f32 $0.0e+00, v9;
	v19 =	vpop (erf);
	(erf) = vpow2.f32 v14  }
0x94: {  	vm4 =	vgt.f32 v17, v12;
	v22 =	vadd.f32 $1.000000000e+00, v18;
	v8 =	vsub.f32 $0.0e+00, v8;
	v18 =	vpop (erf)  }
0x95: {  	v9 =	vmul.f32 $1.442695020e+00, v9;
	v6 =	vsub.f32 $0.0e+00, v6;
	v21 =	vpop (erf);
	(erf) = vrcp.f32 v11  }
0x96: {  	v11 =	vsel vm4, v17, v12;
	v18 =	vadd.f32 $1.000000000e+00, v18;
	(erf) = vrcp.f32 v22;
	v14 =	vpop (erf)  }
0x97: {  	vm5 =	vgt.f32 v19, v11;
	v6 =	vmul.f32 $1.442695020e+00, v6;
	v17 =	vpop (erf);
	(erf) = vpow2.f32 v9  }
0x98: {  	v19 =	vsel vm5, v19, v11;
	v11 =	vadd.f32 $1.000000000e+00, v14;
	(erf) = vrcp.f32 v18;
	v12 =	vpop (erf)  }
0x99: {  	vm6 =	vgt.f32 v21, v19;
	v12 =	vadd.f32 $1.000000000e+00, v12;
	v14 =	vpop (erf);
	(erf) = vpow2.f32 v6  }
0x9a: {  	v8 =	vmul.f32 $1.442695020e+00, v8;
	v6 =	vsel vm6, v21, v19;
	v9 =	vpop (erf);
	(erf) = vrcp.f32 v11  }
0x9b: {  	v11 =	vmul.f32 v17, v20;
	vm7 =	vgt.f32 v9, v6;
	(erf) = vrcp.f32 v12  }
0x9c: {  	v13 =	vmax.f32 v13, $-3.200000000e+01;
	v6 =	vsel vm7, v9, v6;
	v9 =	vpop (erf);
	(erf) = vpow2.f32 v8  }
0x9d: {  	v11 =	vmul.f32 $5.000000000e-01, v11;
	vm8 =	vgt.f32 v14, v6;
	v8 =	vadd.f32 $1.000000000e+00, v9  }
0x9e: {  	v9 =	vmin.f32 v13, $3.200000000e+01;
	v6 =	vsel vm8, v14, v6;
	(erf) = vpow2.f32 v15;
	v12 =	vpop (erf)  }
0x9f: {  	v13 =	vmul.f32 v16, v20;
	v16 =	vsel vm0, $0x45800000, v2;
	v15 =	vpop (erf);
	(erf) = vrcp.f32 v8  }
0xa0: {  	v8 =	vsel vm1, $0x46000000, v16;
	vm0 =	vgt.f32 v15, v6;
	(erf) = vrcp.f32 v7;
	v7 =	vpop (erf)  }
0xa1: {  	v8 =	vsel vm2, $0x46400000, v8;
	v6 =	vsel vm0, v15, v6;
	v7 =	vadd.f32 $1.000000000e+00, v7;
	v14 =	vpop (erf)  }
0xa2: {  	v16 =	vsel vm3, $0x46800000, v8;
	vm1 =	vgt.f32 v12, v6;
	v15 =	vpop (erf)  }
0xa3: {  	v6 =	vsel vm1, v12, v6;
	v17 =	vadd.f32 $1.000000000e+00, v15;
	v15 =	vpop (erf);
	(erf) = vrcp.f32 v7  }
0xa4: {  	v7 =	vsel vm4, $0x46A00000, v16;
	vm2 =	vgt.f32 v14, v6;
	v8 =	vpop (erf)  }
0xa5: {  	v7 =	vsel vm5, $0x46C00000, v7;
	v6 =	vsel vm2, v14, v6;
	(erf) = vrcp.f32 v17;
	v12 =	vpop (erf)  }
0xa6: {  	v7 =	vsel vm6, $0x46E00000, v7;
	vm3 =	vgt.f32 v15, v6;
	v12 =	vadd.f32 $1.000000000e+00, v12  }
0xa7: {  	v7 =	vsel vm7, $0x47000000, v7;
	v6 =	vsel vm3, v15, v6;
	v14 =	vpop (erf)  }
0xa8: {  	v7 =	vsel vm8, $0x47100000, v7;
	vm4 =	vgt.f32 v8, v6;
	v15 =	vpop (erf);
	(erf) = vrcp.f32 v12  }
0xa9: {  	v10 =	vmul.f32 v14, v10;
	v7 =	vsel vm0, $0x47200000, v7;
	v6 =	vsel vm4, v8, v6;
	v8 =	vpop (erf)  }
0xaa: {  	v7 =	vsel vm1, $0x47300000, v7;
	vm0 =	vgt.f32 v15, v6  }
0xab: {  	v10 =	vmul.f32 $5.000000000e-01, v10;
	v7 =	vsel vm2, $0x47400000, v7;
	v6 =	vsel vm0, v15, v6  }
0xac: {  	v7 =	vsel vm3, $0x47500000, v7;
	vm1 =	vgt.f32 v8, v6;
	v12 =	vpop (erf)  }
0xad: {  	v14 =	vmax.f32 v13, $-3.200000000e+01;
	v7 =	vsel vm4, $0x47600000, v7;
	v6 =	vsel vm1, v8, v6  }
0xae: {  	v8 =	vmin.f32 v14, $3.200000000e+01;
	v7 =	vsel vm0, $0x47700000, v7;
	vm2 =	vgt.f32 v12, v6;
	v13 =	vpop (erf)  }
0xaf: {  	v9 =	vadd.f32 v9, v4;
	v4 =	vsel vm1, $0x47800000, v7;
	v6 =	vsel vm2, v12, v6  }
.Ltmp0:
0xb0: {  	v5 =	vadd.f32 v8, v5;
	v7 =	vsel vm2, $0x47880000, v4;
	vm0 =	vgt.f32 v13, v6;
	(pc) =	sbr.rel @p0 .LBB2_1-.Ltmp0, $4  }
0xb1: {  	v4 =	vadd.f32 v10, v9;
	v12 =	vsel vm0, v13, v6;
	v7 =	vsel vm0, $0x47900000, v7;
	v13 =	vpop (erf)  }
0xb2: {  	v8 =	vsub.f32 v9, v10;
	v14 =	vsub.f32 v5, v11;
	vm0 =	vgt.f32 v13, v12  }
0xb3: {  	v6 =	vadd.f32 v11, v5;
	v5 =	vsel vm0, v13, v12;
	v9 =	vsel vm0, $0x47980000, v7;
	[tilespmem:s9+$0x1400] =	vst v4  }
0xb4: {  	vm0 =	vge.f32 v5, $5.000000070e-02;
	v10 =	vadd.f32 v9, v8;
	v7 =	vadd.f32 v9, v14;
	[tilespmem:s9+$0xF00] =	vst v14  }
0xb5: {  	[tilespmem:s7+$0xA00] =	vst v8  }
0xb6: {  	v0 =	vadd.f32 v9, v4;
	v1 =	vadd.f32 v9, v6;
	[tilespmem:s7+$0x1900] =	vst v6  }
0xb7: {  	[tilespmem:s7+$0xFFFFF100] =	vst v10  }
0xb8: {  	vm1 =	vlt.u32 v3, $0x4E20;
	[tilespmem:s7+$0xFFFFFB00] =	vst v0;
	v0 =	vsub.f32 v0, v10;
	v2 =	vsub.f32 v1, v7  }
0xb9: {  	[tilespmem:s7+$0xFFFFF600] =	vst v7;
	vm0 =	vmand vm1, vm0  }
0xba: {  	[tilespmem:s7+$0x0] =	vst v1;
	v1 =	vnsel vm0, $0x0, v5;
	v0 =	vmul.f32 v2, v0  }
0xbb: {  	[tilespmem:s7+$0xFFFFE700] =	vst v1  }
0xbc: {  	s31 =	simm.s32 $0x9130;
	[tilespmem:s7+$0x500] =	vst v0  }
0xbd: {  	v4 =	vld [tilespmem:s31+$0xFFFFFAD0]  }
0xbe: {  	v5 =	vld [tilespmem:s31+$0xFFFFFFD0]  }
0xbf: {  	v2 =	vld [tilespmem:s31+$0xFFFFFAE0]  }
0xc0: {  	v0 =	vld [tilespmem:s31+$0xFFFFFFE0]  }
0xc1: {  	v6 =	vimm.f32 $-1.000000000e+00;
	v3 =	vld [tilespmem:s31+$0xFFFFFAF0]  }
0xc2: {  	v1 =	vld [tilespmem:s31+$0xFFFFFFF0];
	vm0 =	vgt.f32 v4, v6  }
0xc3: {  	v8 =	vimm.f32 $0.0e+00;
	v7 =	vsel vm0, v4, v6;
	v4 =	vld [tilespmem:s31+$0xFFFFFB00]  }
0xc4: {  	s5 =	simm.s32 $0x0;
	s7 =	simm.s32 $0x9170;
	v6 =	vsel vm0, v5, v8;
	v5 =	vld [tilespmem:s31+$0x0];
	vm0 =	vgt.f32 v2, v7  }
.LBB2_3:
0xc5: {  	v8 =	vld [tilespmem:s7+$0xFFFFFAD0];
	s5 =	sadd.s32 $0x4, s5;
	v7 =	vsel vm0, v2, v7;
	v0 =	vsel vm0, v0, v6  }
0xc6: {  	v6 =	vld [tilespmem:s7+$0xFFFFFFD0];
	p0 =	slt.u32 s5, $0x4C;
	vm0 =	vgt.f32 v3, v7  }
0xc7: {  	v2 =	vld [tilespmem:s7+$0xFFFFFAE0];
	v7 =	vsel vm0, v3, v7;
	v1 =	vsel vm0, v1, v0  }
.Ltmp1:
0xc8: {  	v0 =	vld [tilespmem:s7+$0xFFFFFFE0];
	vm0 =	vgt.f32 v4, v7;
	(pc) =	sbr.rel @p0 .LBB2_3-.Ltmp1, $4  }
0xc9: {  	v3 =	vld [tilespmem:s7+$0xFFFFFAF0];
	v4 =	vsel vm0, v4, v7;
	v5 =	vsel vm0, v5, v1  }
0xca: {  	vm0 =	vgt.f32 v8, v4;
	v1 =	vld [tilespmem:s7+$0xFFFFFFF0]  }
0xcb: {  	v7 =	vsel vm0, v8, v4;
	v6 =	vsel vm0, v6, v5;
	v4 =	vld [tilespmem:s7+$0xFFFFFB00]  }
0xcc: {  	vm0 =	vgt.f32 v2, v7;
	v5 =	vld [tilespmem:s7+$0x0];
	s7 =	sadd.s32 $0x40, s7  }
0xcd: {  	v2 =	vsel vm0, v2, v7  }
0xce: {  	vm1 =	vgt.f32 v3, v2  }
0xcf: {  	v2 =	vsel vm1, v3, v2  }
0xd0: {  	vm2 =	vgt.f32 v4, v2  }
0xd1: {  	v2 =	vsel vm2, v4, v2  }
0xd2: {  	(xrf0) =	vmax.scan.msk.f32 $0xffff, v2;
	_ =	sdelay $0x5  }
0xd3: {  	v3, _, _ =	vpop (xrf0)  }
0xd4: {  	v0 =	vsel vm0, v0, v6;
	v3 =	vbroadcast v3, $0xF  }
0xd5: {  	v0 =	vsel vm1, v1, v0  }
0xd6: {  	v0 =	vsel vm2, v5, v0;
	vm0 =	veq.f32 v2, v3  }
0xd7: {  	v0 =	vnsel vm0, $0x7F61B1E6, v0  }
0xd8: {  	(xrf0) =	vmin.scan.msk.f32 $0xffff, v0;
	_ =	sdelay $0x5  }
0xd9: {  	v0, _, _ =	vpop (xrf0)  }
0xda: {  	(v2sf) =	vpush v0, $0xF;
	_ =	sdelay $0xb  }
0xdb: {  	v1 =	vlaneseq.u32  }
0xdc: {  	s5 =	simm.s32 $0x0;
	p0 =	sne.s32 s4, $0x0;
	v3 =	vimm.s32 $0x0;
	vm0 =	vcmask $0x300;
	v0 =	vmul.u32 $0x10, v1  }
0xdd: {  	s4 =	simm.s32 $0x8C00;
	s6 =	sshrl.u32 s6, $0x2;
	s7 =	simm.s32 $0xDC00;
	v3 =	vsel vm0, $0x3, v3  }
0xde: {  	s8 =	simm.s32 $0x1;
	s9 =	simm.s32 $0xDC10;
	vm0 =	vcmask @!p0 $0xF00;
	v1 =	vmul.u32 $0x500, v1;
	v2 =	vor.u32 $0x1, v0;
	s10 =	spop (v2sf)  }
.LBB2_5:
0xdf: {  	s10 =	scvt.f32.s32 s10;
	_ =	sdelay $0x1  }
0xe0: {  	s10 =	ssub.s32 s10, s2  }
0xe1: {  	v4 =	vadd.s32 s10, v1;
	_ =	sdelay $0x4  }
0xe2: {  	v4 =	vld.idx.msk [tilespmem:v4+s4+$0x0], $0xffff;
	_ =	sdelay $0x1  }
0xe3: {  	s29 =	sshll.u32 s5, $0x8  }
0xe4: {  	s10 =	sand.u32 $0x100, s29  }
0xe5: {  	s10 =	sadd.s32 s10, s1  }
0xe6: {  	s11 =	sadd.s32 s6, s10;
	[tilespmem:$0xDC00] =	vst v4  }
0xe7: {  	[spmem:s11] =	stream.linear.scatter [tilespmem:s7], [sflag:$0x1], $0x10, $0x38;
	[tilespmem:$0xE370] =	vst v63  }
0xe8: {  	_ =	swait.ge [sflag:s8], $0x10  }
0xe9: {  	[sflag:s8] =	ssyncset.done $0x0  }
0xea: {  	[sflag:s8] =	ssyncadd.s32 $0xFFFFFFF0  }
0xeb: {  	[bflag:$0x0] =	sbarrier.arrive $0xFFFF  }
0xec: {  	[tilespmem:s9], [sflag:$0x1] =	stream.linear.gather [spmem:s10], $0x100, $0x38;
	[tilespmem:$0xE370] =	vst v63  }
0xed: {  	_ =	swait.ge [sflag:s8], $0x100  }
0xee: {  	[sflag:s8] =	ssyncset.done $0x0  }
0xef: {  	[sflag:s8] =	ssyncadd.s32 $0xFFFFFF00  }
0xf0: {  	v4 =	vld.idx.msk [tilespmem:v0+s9+$0x0], $0xffff;
	_ =	sdelay $0x4  }
0xf1: {  	(xrf0) =	vmax.scan.msk.f32 $0xffff, v4;
	_ =	sdelay $0x4  }
0xf2: {  	v5 =	vld.idx.msk [tilespmem:v2+s9+$0x0], $0xffff  }
0xf3: {  	v6, _, _ =	vpop (xrf0)  }
0xf4: {  	v6 =	vbroadcast v6, $0xF;
	_ =	sdelay $0x1  }
0xf5: {  	vm1 =	veq.f32 v4, v6  }
0xf6: {  	v4 =	vnsel vm1, $0x7F61B1E6, v5  }
0xf7: {  	(xrf0) =	vmin.scan.msk.f32 $0xffff, v4;
	_ =	sdelay $0x5  }
0xf8: {  	v11, _, _ =	vpop (xrf0)  }
0xf9: {  	(v2sf) =	vpush v11, $0xF;
	_ =	sdelay $0xe  }
0xfa: {  	s30 =	spop (v2sf)  }
0xfb: {  	s10 =	scvt.f32.s32 s30;
	_ =	sdelay $0x1  }
0xfc: {  	s31 =	smulhi.u32 $0x66666667, s10;
	s12 =	sshra.s32 s10, $0x1F  }
0xfd: {  	s12 =	smul.u32 $0x66666667, s12;
	_ =	sdelay $0x1  }
0xfe: {  	s11 =	sadd.s32 s12, s31  }
0xff: {  	s12 =	sshrl.u32 s11, $0x1F;
	s11 =	sshra.s32 s11, $0x9  }
0x100: {  	s11 =	sadd.s32 s12, s11  }
0x101: {  	s12 =	smul.u32 $0xFFFFFB00, s11  }
0x102: {  	s13 =	ssub.s32 $0x0, s10  }
0x103: {  	p1 =	slt.s32 s10, $0x1;
	p2 =	sne.s32 s12, s13  }
0x104: {  	p1 =	por !p1, !p2  }
0x105: {  	s10 =	simm.s32 $0x1;
	p1 =	por !p1, !p1  }
0x106: {  	s10 =	simm.s32 @!p1 $0x0  }
0x107: {  	s10 =	ssub.s32 s11, s10  }
0x108: {  	s10 =	sshll.u32 s10, $0x4  }
0x109: {  	v6 =	vimm.s32 @!p0 $0xA090807;
	v4 =	vmov s10  }
0x10a: {  	v6 =	vunpack.c.0.s8.s32 @!p0 v6;
	v5 =	vshrl.u32 v4, $0x3  }
0x10b: {  	v4 =	vbroadcast @!p0 v4, $0x0;
	v5 =	vshll.u32 v5, v3  }
0x10c: {  	v6 =	vnsel @!p0 vm0, $0x0, v6;
	v7 =	vadd.s32 $0x2, v5  }
0x10d: {  	v8 =	vadd.s32 $0x3, v5;
	v4 =	vor.u32 @!p0 v6, v4;
	v7 =	vbroadcast v7, $0x0  }
0x10e: {  	v9 =	vadd.s32 $0x4, v5;
	v8 =	vbroadcast v8, $0x0  }
0x10f: {  	v6 =	vbroadcast v9, $0x0;
	v9 =	vadd.s32 $0x5, v5  }
0x110: {  	v5 =	vadd.s32 $0x6, v5;
	v10 =	vbroadcast v9, $0x0  }
0x111: {  	s11 =	sshll.u32 @!p0 s5, $0x4;
	s10 =	simm.s32 @!p0 $0xDC10;
	v5 =	vbroadcast v5, $0x0;
	v9 =	vlaneseq.u32 @!p0  }
0x112: {  	v12 =	vor.u32 @!p0 s11, v9;
	v4 =	vld.idx.msk @!p0 [tilespmem:v4+s10+$0x0], $0xffff  }
0x113: {  	v7 =	vld.idx.msk [tilespmem:v7+s9+$0x0], $0xffff  }
0x114: {  	v8 =	vld.idx.msk [tilespmem:v8+s9+$0x0], $0xffff  }
0x115: {  	v9 =	vld.idx.msk [tilespmem:v6+s9+$0x0], $0xffff  }
0x116: {  	s10 =	simm.s32 @!p0 $0xDD10;
	v10 =	vld.idx.msk [tilespmem:v10+s9+$0x0], $0xffff  }
0x117: {  	v6 =	vld.idx.msk [tilespmem:v5+s9+$0x0], $0xffff;
	[tilespmem:v12+s10+$0x0] =	vst.idx.msk @!p0 $0xffff, v4  }
0x118: {  	v4 =	vld [tilespmem:s4+$0x1900]  }
0x119: {  	v5 =	vld [tilespmem:s4+$0x1400]  }
0x11a: {  	v12 =	vld [tilespmem:s4+$0xF00]  }
0x11b: {  	v13 =	vld [tilespmem:s4+$0xA00]  }
0x11c: {  	v14 =	vld [tilespmem:s4+$0x1920]  }
0x11d: {  	v15 =	vld [tilespmem:s4+$0x1910]  }
0x11e: {  	v16 =	vld [tilespmem:s4+$0x1410]  }
0x11f: {  	v17 =	vld [tilespmem:s4+$0x1E00]  }
0x120: {  	v18 =	vld [tilespmem:s4+$0xA10];
	v5 =	vmin.f32 v9, v5  }
0x121: {  	v19 =	vld [tilespmem:s4+$0xA20];
	v12 =	vmax.f32 v8, v12;
	v4 =	vmin.f32 v10, v4;
	v13 =	vmax.f32 v7, v13  }
0x122: {  	v20 =	vld [tilespmem:s4+$0xF10];
	v4 =	vsub.f32 v4, v12;
	v5 =	vsub.f32 v5, v13  }
0x123: {  	v12 =	vld [tilespmem:s4+$0x1420]  }
0x124: {  	v13 =	vld [tilespmem:s4+$0xF20];
	v5 =	vmax.f32 v5, $1.000000000e-28;
	v4 =	vmax.f32 v4, $1.000000000e-28  }
0x125: {  	v21 =	vmul.f32 v4, v5;
	v5 =	vadd.f32 v17, v6  }
0x126: {  	v22 =	vld [tilespmem:s4+$0x1930];
	v18 =	vmax.f32 v7, v18;
	v16 =	vmin.f32 v9, v16;
	v15 =	vmin.f32 v10, v15  }
0x127: {  	v20 =	vmax.f32 v8, v20;
	v16 =	vsub.f32 v16, v18;
	v18 =	vld [tilespmem:s4+$0x1E20];
	v5 =	vsub.f32 v5, v21  }
0x128: {  	v14 =	vmin.f32 v10, v14;
	v19 =	vmax.f32 v7, v19;
	v15 =	vsub.f32 v15, v20;
	v20 =	vld [tilespmem:s4+$0xA30]  }
0x129: {  	v17 =	vld [tilespmem:s4+$0x1E10];
	v12 =	vmin.f32 v9, v12;
	v13 =	vmax.f32 v8, v13;
	v5 =	vadd.f32 $9.999999820e-15, v5  }
0x12a: {  	v12 =	vsub.f32 v12, v19;
	v13 =	vsub.f32 v14, v13;
	v19 =	vld [tilespmem:s4+$0xF30]  }
0x12b: {  	s10 =	simm.s32 $0x8C40;
	v14 =	vld [tilespmem:s4+$0x1430];
	(erf) = vrcp.f32 v5  }
0x12c: {  	v24 =	vld [tilespmem:s10+$0x1910];
	v16 =	vmax.f32 v16, $1.000000000e-28;
	v12 =	vmax.f32 v12, $1.000000000e-28;
	v13 =	vmax.f32 v13, $1.000000000e-28  }
0x12d: {  	v25 =	vld [tilespmem:s10+$0x1900];
	v15 =	vmax.f32 v15, $1.000000000e-28;
	v23 =	vmul.f32 v13, v12;
	v13 =	vadd.f32 v18, v6  }
0x12e: {  	v26 =	vld [tilespmem:s10+$0xA00];
	v20 =	vmax.f32 v7, v20;
	v12 =	vmul.f32 v15, v16  }
0x12f: {  	v4 =	vld [tilespmem:s4+$0x510];
	v18 =	vmin.f32 v10, v22;
	v13 =	vsub.f32 v13, v23;
	v19 =	vmax.f32 v8, v19  }
0x130: {  	v15 =	vadd.f32 v17, v6;
	v17 =	vld [tilespmem:s4+$0x1E30];
	v14 =	vmin.f32 v9, v14;
	v18 =	vsub.f32 v18, v19  }
0x131: {  	v16 =	vld [tilespmem:s4+$0x500];
	v14 =	vsub.f32 v14, v20;
	v13 =	vadd.f32 $9.999999820e-15, v13  }
0x132: {  	v22 =	vld [tilespmem:s10+$0x1920];
	v15 =	vsub.f32 v15, v12  }
0x133: {  	v20 =	vld [tilespmem:s10+$0x1400];
	(erf) = vrcp.f32 v13;
	v13 =	vmax.f32 v14, $1.000000000e-28;
	v14 =	vmax.f32 v18, $1.000000000e-28  }
0x134: {  	v15 =	vadd.f32 $9.999999820e-15, v15;
	v13 =	vmul.f32 v14, v13;
	v14 =	vld [tilespmem:s10+$0xF00];
	v18 =	vpop (erf)  }
0x135: {  	v19 =	vld [tilespmem:s4+$0x0];
	v17 =	vadd.f32 v17, v6;
	v18 =	vmul.f32 v18, v21  }
0x136: {  	v29 =	vimm.f32 $-1.000000000e+00;
	v11 =	vbroadcast v11, $0xF;
	v30 =	vld [tilespmem:s10+$0x1410];
	(erf) = vrcp.f32 v15  }
0x137: {  	v27 =	vimm.f32 $0.0e+00;
	v5 =	vld [tilespmem:s4+$0x520];
	vm2 =	vgt.f32 v18, $6.000000240e-01;
	v18 =	vsub.f32 v17, v13  }
0x138: {  	v28 =	vld [tilespmem:s10+$0xA10];
	vm1 =	veq.f32 v16, v11;
	v32 =	vmin.f32 v9, v20;
	v17 =	vmin.f32 v10, v22  }
0x139: {  	v15 =	vld [tilespmem:s4+$0x10];
	v14 =	vmax.f32 v8, v14;
	vm2 =	vmor vm1, vm2;
	v18 =	vadd.f32 $9.999999820e-15, v18  }
0x13a: {  	v20 =	vld [tilespmem:s10+$0xF10];
	v22 =	vmin.f32 v10, v25;
	vm1 =	veq.f32 v4, v11;
	v31 =	vsel vm2, $0x0, v19  }
0x13b: {  	v21 =	vld [tilespmem:s10+$0x1E00];
	v19 =	vmin.f32 v10, v24;
	v24 =	vmax.f32 v7, v26;
	(erf) = vrcp.f32 v18  }
0x13c: {  	v26 =	vsub.f32 v22, v14;
	v22 =	vld [tilespmem:s10+$0x1420];
	vm2 =	veq.f32 v5, v11;
	vm3 =	vgt.f32 v31, v29;
	v25 =	vpop (erf)  }
0x13d: {  	v24 =	vsub.f32 v32, v24;
	v14 =	vsel vm3, v16, v27;
	v18 =	vld [tilespmem:s4+$0x20];
	v63 =	vmul.f32 v25, v23  }
0x13e: {  	s12 =	simm.s32 $0x8C00;
	v25 =	vmax.f32 v7, v28;
	v23 =	vld [tilespmem:s10+$0xF20];
	v28 =	vmax.f32 v26, $1.000000000e-28;
	v26 =	vmin.f32 v9, v30  }
0x13f: {  	s13 =	simm.s32 $0x4;
	s11 =	simm.s32 $0x8C40;
	[tilespmem:s4+$0x0] =	vst v31;
	v16 =	vsel vm3, v31, v29;
	v29 =	vpop (erf);
	v27 =	vmax.f32 v24, $1.000000000e-28;
	v24 =	vld [tilespmem:s10+$0xA20];
	vm3 =	vgt.f32 v63, $6.000000240e-01  }
.LBB2_6:
0x140: {  	s13 =	sadd.s32 $0x4, s13;
	v27 =	vmul.f32 v28, v27;
	v28 =	vld [tilespmem:s10+$0x1E10];
	v25 =	vsub.f32 v26, v25;
	v12 =	vmul.f32 v29, v12  }
0x141: {  	v21 =	vadd.f32 v21, v6;
	v20 =	vmax.f32 v8, v20;
	p1 =	slt.u32 s13, $0x4C;
	v22 =	vmin.f32 v9, v22;
	v26 =	vld [tilespmem:s12+$0x530]  }
0x142: {  	vm2 =	vmor vm2, vm3;
	v19 =	vsub.f32 v19, v20;
	v29 =	vld [tilespmem:s10+$0x510];
	v25 =	vmax.f32 v25, $1.000000000e-28  }
0x143: {  	v20 =	vsub.f32 v21, v27;
	vm3 =	vgt.f32 v12, $6.000000240e-01;
	v21 =	vmax.f32 v8, v23;
	v23 =	vld [tilespmem:s10+$0x1930]  }
0x144: {  	v12 =	vmax.f32 v19, $1.000000000e-28;
	vm1 =	vmor vm1, vm3;
	v19 =	vld [tilespmem:s10+$0x1E20];
	v24 =	vmax.f32 v7, v24;
	v30 =	vpop (erf)  }
0x145: {  	v18 =	vsel vm2, $0x0, v18;
	v20 =	vadd.f32 $9.999999820e-15, v20;
	v12 =	vmul.f32 v12, v25;
	v25 =	vld [tilespmem:s12+$0x30]  }
0x146: {  	v17 =	vsub.f32 v17, v21;
	v15 =	vsel vm1, $0x0, v15;
	v22 =	vsub.f32 v22, v24;
	v21 =	vld [tilespmem:s10+$0x1430];
	[tilespmem:s12+$0x20] =	vst v18  }
0x147: {  	v24 =	vadd.f32 v28, v6;
	vm1 =	vgt.f32 v15, v16;
	v28 =	vld [tilespmem:s10+$0xF30];
	(erf) = vrcp.f32 v20;
	[tilespmem:s12+$0x10] =	vst v15  }
0x148: {  	v17 =	vmax.f32 v17, $1.000000000e-28;
	v20 =	vmax.f32 v22, $1.000000000e-28;
	v22 =	vld [tilespmem:s10+$0xA30];
	v23 =	vmin.f32 v10, v23  }
0x149: {  	v13 =	vmul.f32 v30, v13;
	v32 =	vmul.f32 v17, v20;
	v31 =	vld [tilespmem:s10+$0x520];
	v17 =	vadd.f32 v19, v6  }
0x14a: {  	v16 =	vsel vm1, v15, v16;
	v14 =	vsel vm1, v4, v14;
	v4 =	vmovc v29;
	v19 =	vsub.f32 v24, v12;
	v30 =	vld [tilespmem:s10+$0x500]  }
0x14b: {  	vm2 =	veq.f32 v26, v11;
	vm1 =	vgt.f32 v13, $6.000000240e-01;
	s10 =	sadd.s32 $0x40, s10;
	v15 =	vsub.f32 v17, v32;
	v17 =	vld [tilespmem:s11+$0x1E30]  }
0x14c: {  	vm1 =	vmor vm2, vm1;
	v21 =	vmin.f32 v9, v21;
	v20 =	vld [tilespmem:s10+$0x1920];
	v13 =	vmax.f32 v8, v28  }
0x14d: {  	v25 =	vsel vm1, $0x0, v25;
	v24 =	vld [tilespmem:s10+$0x1910];
	v28 =	vadd.f32 $9.999999820e-15, v15;
	v22 =	vmax.f32 v7, v22  }
0x14e: {  	vm1 =	vgt.f32 v18, v16;
	v13 =	vsub.f32 v23, v13;
	v15 =	vld [tilespmem:s11+$0x10];
	v21 =	vsub.f32 v21, v22;
	[tilespmem:s12+$0x30] =	vst v25;
	s12 =	smov.u32 s11;
	s11 =	smov.u32 s10  }
0x14f: {  	v19 =	vadd.f32 $9.999999820e-15, v19;
	v16 =	vsel vm1, v18, v16;
	v22 =	vld [tilespmem:s12+$0x0];
	(erf) = vrcp.f32 v28  }
0x150: {  	v13 =	vmax.f32 v13, $1.000000000e-28;
	v18 =	vld [tilespmem:s10+$0x1900];
	v21 =	vmax.f32 v21, $1.000000000e-28;
	v17 =	vadd.f32 v17, v6;
	v23 =	vpop (erf)  }
0x151: {  	v14 =	vsel vm1, v5, v14;
	v5 =	vmovc v31;
	v28 =	vld [tilespmem:s10+$0x1400];
	v23 =	vmul.f32 v23, v27;
	v13 =	vmul.f32 v13, v21  }
0x152: {  	vm2 =	vgt.f32 v25, v16;
	vm1 =	veq.f32 v30, v11;
	v27 =	vld [tilespmem:s10+$0xF00];
	(erf) = vrcp.f32 v19  }
0x153: {  	v16 =	vsel vm2, v25, v16;
	v29 =	vld [tilespmem:s10+$0xA00];
	vm3 =	vgt.f32 v23, $6.000000240e-01;
	v19 =	vsub.f32 v17, v13  }
0x154: {  	v14 =	vsel vm2, v26, v14;
	v23 =	vld [tilespmem:s10+$0x1410];
	vm3 =	vmor vm1, vm3;
	vm1 =	veq.f32 v4, v11  }
0x155: {  	v17 =	vmin.f32 v10, v20;
	v25 =	vld [tilespmem:s10+$0xA10];
	v31 =	vsel vm3, $0x0, v22;
	v22 =	vadd.f32 $9.999999820e-15, v19  }
0x156: {  	v19 =	vmin.f32 v10, v24;
	v26 =	vmin.f32 v9, v28;
	v20 =	vld [tilespmem:s10+$0xF10];
	[tilespmem:s12+$0x0] =	vst v31;
	vm3 =	vgt.f32 v31, v16  }
.Ltmp2:
0x157: {  	v18 =	vmin.f32 v10, v18;
	v21 =	vld [tilespmem:s10+$0x1E00];
	v24 =	vmax.f32 v8, v27;
	(erf) = vrcp.f32 v22;
	(pc) =	sbr.rel @p1 .LBB2_6-.Ltmp2, $4  }
0x158: {  	vm2 =	veq.f32 v5, v11;
	v27 =	vmax.f32 v7, v29;
	v24 =	vsub.f32 v18, v24;
	v22 =	vld [tilespmem:s10+$0x1420];
	v28 =	vpop (erf)  }
0x159: {  	v14 =	vsel vm3, v30, v14;
	v27 =	vsub.f32 v26, v27;
	v18 =	vld [tilespmem:s12+$0x20];
	v30 =	vmul.f32 v28, v32  }
0x15a: {  	v16 =	vsel vm3, v31, v16;
	v26 =	vmin.f32 v9, v23;
	v25 =	vmax.f32 v7, v25;
	v23 =	vld [tilespmem:s10+$0xF20]  }
0x15b: {  	v28 =	vmax.f32 v24, $1.000000000e-28;
	v27 =	vmax.f32 v27, $1.000000000e-28;
	v24 =	vld [tilespmem:s10+$0xA20];
	vm3 =	vgt.f32 v30, $6.000000240e-01;
	v29 =	vpop (erf)  }
0x15c: {  	v30 =	vld [tilespmem:s10+$0x1E10]  }
0x15d: {  	v62 =	vld [tilespmem:s10+$0x1930]  }
0x15e: {  	v27 =	vmul.f32 v28, v27;
	v25 =	vsub.f32 v26, v25;
	v12 =	vmul.f32 v29, v12;
	v63 =	vld [tilespmem:s10+$0x1E20]  }
0x15f: {  	v21 =	vadd.f32 v21, v6;
	v20 =	vmax.f32 v8, v20;
	v32 =	vld [tilespmem:s10+$0x1430];
	vm2 =	vmor vm2, vm3  }
0x160: {  	v34 =	vld [tilespmem:s10+$0xA30];
	v22 =	vmin.f32 v9, v22;
	v19 =	vsub.f32 v19, v20;
	v25 =	vmax.f32 v25, $1.000000000e-28  }
0x161: {  	v33 =	vld [tilespmem:s10+$0xF30];
	v21 =	vsub.f32 v21, v27;
	v29 =	vmax.f32 v8, v23;
	v31 =	vmax.f32 v7, v24  }
0x162: {  	v19 =	vmax.f32 v19, $1.000000000e-28;
	v17 =	vsub.f32 v17, v29;
	v22 =	vsub.f32 v22, v31  }
0x163: {  	v21 =	vadd.f32 $9.999999820e-15, v21;
	v19 =	vmul.f32 v19, v25;
	v35 =	vadd.f32 v63, v6  }
0x164: {  	v36 =	vadd.f32 v30, v6;
	v17 =	vmax.f32 v17, $1.000000000e-28;
	v22 =	vmax.f32 v22, $1.000000000e-28  }
0x165: {  	v38 =	vld [tilespmem:s11+$0x1E30];
	v41 =	vmin.f32 v9, v32;
	v42 =	vmax.f32 v7, v34;
	v17 =	vmul.f32 v17, v22  }
0x166: {  	v10 =	vmin.f32 v10, v62;
	v40 =	vmax.f32 v8, v33;
	v7 =	vsub.f32 v41, v42  }
0x167: {  	v43 =	vpop (erf);
	(erf) = vrcp.f32 v21;
	v8 =	vsub.f32 v10, v40;
	v37 =	vsub.f32 v35, v17  }
0x168: {  	v39 =	vld [tilespmem:s12+$0x530];
	vm3 =	vgt.f32 v12, $6.000000240e-01;
	v12 =	vmul.f32 v43, v13;
	v46 =	vsub.f32 v36, v19  }
0x169: {  	v7 =	vmax.f32 v7, $1.000000000e-28;
	v8 =	vmax.f32 v8, $1.000000000e-28;
	v47 =	vadd.f32 $9.999999820e-15, v37  }
0x16a: {  	v44 =	vld [tilespmem:s12+$0x30];
	v48 =	vadd.f32 v38, v6;
	v13 =	vadd.f32 $9.999999820e-15, v46;
	v7 =	vmul.f32 v8, v7  }
0x16b: {  	v18 =	vsel vm2, $0x0, v18;
	(erf) = vrcp.f32 v47  }
0x16c: {  	vm1 =	vmor vm1, vm3;
	v6 =	vsub.f32 v48, v7;
	(erf) = vrcp.f32 v13  }
0x16d: {  	v45 =	vsel vm1, $0x0, v15;
	vm2 =	veq.f32 v39, v11;
	vm1 =	vgt.f32 v12, $6.000000240e-01  }
0x16e: {  	v49 =	vld [tilespmem:s10+$0x500];
	[tilespmem:s12+$0x20] =	vst v18;
	vm1 =	vmor vm2, vm1;
	v6 =	vadd.f32 $9.999999820e-15, v6  }
0x16f: {  	[tilespmem:s12+$0x10] =	vst v45;
	v9 =	vsel vm1, $0x0, v44  }
0x170: {  	v50 =	vld [tilespmem:s11+$0x10];
	[tilespmem:s12+$0x30] =	vst v9;
	v52 =	vpop (erf);
	(erf) = vrcp.f32 v6  }
0x171: {  	v51 =	vld [tilespmem:s11+$0x0];
	v15 =	vmul.f32 v52, v27  }
0x172: {  	v53 =	vld [tilespmem:s10+$0x510];
	vm1 =	vgt.f32 v45, v16  }
0x173: {  	vm2 =	veq.f32 v49, v11;
	v10 =	vsel vm1, v45, v16;
	vm3 =	vgt.f32 v15, $6.000000240e-01  }
0x174: {  	v54 =	vld [tilespmem:s10+$0x520];
	vm3 =	vmor vm2, vm3;
	vm2 =	vgt.f32 v18, v10;
	v55 =	vpop (erf)  }
0x175: {  	v10 =	vsel vm2, v18, v10;
	v56 =	vpop (erf)  }
0x176: {  	v59 =	vld [tilespmem:s11+$0x530];
	v13 =	vsel vm3, $0x0, v51;
	vm3 =	vgt.f32 v9, v10;
	v18 =	vmul.f32 v56, v19  }
0x177: {  	vm4 =	veq.f32 v53, v11;
	v57 =	vld [tilespmem:s11+$0x20];
	v9 =	vsel vm3, v9, v10  }
0x178: {  	vm5 =	vgt.f32 v13, v9;
	v58 =	vmul.f32 v55, v17;
	vm7 =	vgt.f32 v18, $6.000000240e-01  }
0x179: {  	vm6 =	veq.f32 v54, v11;
	v61 =	vld [tilespmem:s11+$0x30];
	v9 =	vsel vm5, v13, v9;
	v60 =	vpop (erf);
	vm4 =	vmor vm4, vm7  }
0x17a: {  	vm12 =	vgt.f32 v58, $6.000000240e-01;
	v7 =	vmul.f32 v60, v7;
	v12 =	vsel vm4, $0x0, v50  }
0x17b: {  	vm14 =	veq.f32 v59, v11;
	vm6 =	vmor vm6, vm12;
	vm4 =	vgt.f32 v12, v9  }
0x17c: {  	v62 =	vsel vm6, $0x0, v57;
	vm13 =	vgt.f32 v7, $6.000000240e-01;
	v9 =	vsel vm4, v12, v9  }
0x17d: {  	vm6 =	vmor vm14, vm13;
	vm15 =	vgt.f32 v62, v9  }
0x17e: {  	v63 =	vsel vm6, $0x0, v61;
	v9 =	vsel vm15, v62, v9  }
0x17f: {  	vm6 =	vgt.f32 v63, v9  }
0x180: {  	v9 =	vsel vm6, v63, v9  }
0x181: {  	(xrf0) =	vmax.scan.msk.f32 $0xffff, v9;
	_ =	sdelay $0x2  }
0x182: {  	v4 =	vsel vm1, v4, v14  }
0x183: {  	v4 =	vsel vm2, v5, v4  }
0x184: {  	v4 =	vsel vm3, v39, v4  }
0x185: {  	v4 =	vsel vm5, v49, v4;
	v5, _, _ =	vpop (xrf0)  }
0x186: {  	v4 =	vsel vm4, v53, v4;
	v5 =	vbroadcast v5, $0xF  }
0x187: {  	v4 =	vsel vm15, v54, v4  }
0x188: {  	v4 =	vsel vm6, v59, v4;
	vm1 =	veq.f32 v9, v5  }
0x189: {  	v4 =	vnsel vm1, $0x7F61B1E6, v4  }
0x18a: {  	(xrf0) =	vmin.scan.msk.f32 $0xffff, v4;
	_ =	sdelay $0x5  }
0x18b: {  	v4, _, _ =	vpop (xrf0)  }
0x18c: {  	(v2sf) =	vpush v4, $0xF;
	_ =	sdelay $0x8  }
0x18d: {  	s5 =	sadd.s32 $0x1, s5  }
0x18e: {  	p1 =	sne.s32 s5, $0x64  }
.Ltmp3:
0x18f: {  	_ = 	snop;
	(pc) =	sbr.rel @p1 .LBB2_5-.Ltmp3, $4  }
0x190: {  	[tilespmem:s11+$0x0] =	vst v13  }
0x191: {  	[tilespmem:s11+$0x20] =	vst v62  }
0x192: {  	[tilespmem:s11+$0x10] =	vst v12  }
0x193: {  	[tilespmem:s11+$0x30] =	vst v63;
	s10 =	spop (v2sf)  }
0x194: {  	_ =	sfence.sel @p0 $0x180000  }
0x195: {  	[bflag:$0x0] =	sbarrier.arrive @p0 $0xFFFF  }
0x196: {  	_ =	strace @p0 $0x90000047  }
0x197: {  	s1 =	simm.s32 @!p0 $0x0;
	s2 =	simm.s32 @!p0 $0xDD10;
	[bflag:$0x2] =	sbarrier.arrive @p0 $0xFFFF  }
0x198: {  	[hbm4b:s3+s1] =	stream.linear.scatter @!p0 [tilespmem:s2], [sflag:$0x1], $0x640, $0x38;
	[tilespmem:$0xE370] =	vst v63  }
0x199: {  	s1 =	simm.s32 @!p0 $0x1  }
0x19a: {  	_ =	swait.ge @!p0 [sflag:s1], $0x640  }
0x19b: {  	[sflag:s1] =	ssyncset.done @!p0 $0x0  }
0x19c: {  	[sflag:s1] =	ssyncadd.s32 @!p0 $0xFFFFF9C0  }
0x19d: {  	_ =	sfence.sel @!p0 $0x180000  }
0x19e: {  	[bflag:$0x0] =	sbarrier.arrive @!p0 $0xFFFF  }
0x19f: {  	_ =	strace @!p0 $0x90000047  }
0x1a0: {  	s0 =	sadd.s32 @!p0 $0x100000, s0;
	[bflag:$0x2] =	sbarrier.arrive @!p0 $0xFFFF  }
0x1a1: {  	[sflag:s0] =	ssyncadd.tile.s32 @!p0 $0x1;
	_ =	shalt  }
.Lfunc_end2:
_tile_overlayer_lowered:
.L_overlay_start_2:
0x1a2: {  	(tag) =	ssettag $0x2  }
0x1a3: {  	s0 =	rddreg [dreg:$0x0];
	s2 =	stileid.u32  }
0x1a4: {  	s1 =	rddreg [dreg:$0x1];
	p0 =	sne.s32 s2, $0x0  }
0x1a5: {  	s3 =	rddreg [dreg:$0x2];
	[bflag:$0x3] =	sbarrier.arrive $0xFFFF;
	s2 =	simm.s32 @!p0 $0x1C01  }
0x1a6: {  	[timem:s3], [sflag:s2] =	dma.local @!p0 [hbm:s0], s1  }
0x1a7: {  	s0 =	simm.s32 @!p0 $0x1  }
0x1a8: {  	_ =	swait.ge @!p0 [sflag:s0], s1  }
0x1a9: {  	s1 =	ssub.s32 @!p0 $0x0, s1;
	[sflag:s0] =	ssyncset.done @!p0 $0x0  }
0x1aa: {  	[sflag:s0] =	ssyncadd.s32 @!p0 s1  }
0x1ab: {  	[bflag:$0x3] =	sbarrier.arrive $0xFFFF  }
0x1ac: {  	_ =	shalt  }

</sc_bundles>
